<compile_context>
chip_gen: v7x
topology: tpu7x:2x2x1
jax: 0.10.2.dev20260603
libtpu: 0.0.44.dev20260713+nightly
codegen_flags: <defaults>
</compile_context>

<pallas_src>
import functools

import jax
import jax.numpy as jnp
from jax import lax
from jax.experimental import pallas as pl
from jax.experimental.pallas import tpu as pltpu
from jax.experimental.pallas import tpu_sc as plsc

NUM_CORES = 2
NUM_SUBCORES = 16
NUM_WORKERS = NUM_CORES * NUM_SUBCORES

IDX_MINOR = 128
SPLIT = 2
ROW_WORDS = 32
PAD_FACTOR = 4
DESCS_PER_CHUNK = 4
NBUF = 4


def _transpose_table(vocab: int, dim: int):
    blk_v = 16384
    grid = (vocab + blk_v - 1) // blk_v

    def body(wt_ref, out_ref):
        out_ref[:, pl.ds(0, dim)] = wt_ref[...].T

    return pl.pallas_call(
        body,
        grid=(grid,),
        in_specs=[pl.BlockSpec((dim, blk_v), lambda i: (0, i))],
        out_specs=pl.BlockSpec((blk_v, 2 * dim), lambda i: (i, 0)),
        out_shape=jax.ShapeDtypeStruct((vocab, 2 * dim), jnp.float32),
    )


def _transpose_out(rows: int, cols: int):
    blk_r, blk_c = 2048, 640

    def body(in_ref, out_ref):
        out_ref[...] = in_ref[...].T

    return pl.pallas_call(
        body,
        grid=(rows // blk_r, cols // blk_c),
        in_specs=[pl.BlockSpec((blk_r, blk_c), lambda i, j: (i, j))],
        out_specs=pl.BlockSpec((blk_c, blk_r), lambda i, j: (j, i)),
        out_shape=jax.ShapeDtypeStruct((cols, rows), jnp.float32),
    )


def _make_gather(total_rows: int):
    half_rows = total_rows * SPLIT
    idx_rows = half_rows // IDX_MINOR
    rows_per_worker = idx_rows // NUM_WORKERS
    chunks = rows_per_worker // DESCS_PER_CHUNK
    chunk_half = DESCS_PER_CHUNK * IDX_MINOR
    assert chunks % NBUF == 0 and chunks // NBUF >= 2

    mesh = plsc.VectorSubcoreMesh(
        core_axis_name="c", subcore_axis_name="s",
        num_cores=NUM_CORES, num_subcores=NUM_SUBCORES)

    @functools.partial(
        pl.kernel,
        out_type=jax.ShapeDtypeStruct((half_rows, ROW_WORDS), jnp.float32),
        mesh=mesh,
        scratch_types=[
            pltpu.VMEM((rows_per_worker, IDX_MINOR), jnp.int32),
            [pltpu.VMEM((chunk_half, ROW_WORDS), jnp.float32)
             for _ in range(NBUF)],
            [pltpu.SemaphoreType.DMA for _ in range(NBUF)],
        ],
        compiler_params=pltpu.CompilerParams(use_tc_tiling_on_sc=False),
    )
    def gather_kernel(idx_hbm, table_hbm, out_hbm, idx_v, rows, sems):
        wid = lax.axis_index("s") * NUM_CORES + lax.axis_index("c")
        base_row = wid * rows_per_worker

        pltpu.sync_copy(idx_hbm.at[pl.ds(base_row, rows_per_worker)], idx_v)

        def fire_gathers(g, b):
            for j in range(DESCS_PER_CHUNK):
                pltpu.async_copy(
                    table_hbm.at[idx_v.at[g * DESCS_PER_CHUNK + j]],
                    rows[b].at[pl.ds(j * IDX_MINOR, IDX_MINOR)],
                    sems[b])

        def finish_chunk(g, b):
            pltpu.make_async_copy(
                out_hbm.at[pl.ds(0, chunk_half)], rows[b], sems[b]).wait()
            out_row0 = (base_row + g * DESCS_PER_CHUNK) * IDX_MINOR
            pltpu.async_copy(
                rows[b], out_hbm.at[pl.ds(out_row0, chunk_half)],
                sems[b]).wait()

        for b in range(NBUF):
            fire_gathers(b, b)

        def outer(i, _):
            for b in range(NBUF):
                g = i * NBUF + b
                finish_chunk(g, b)
                fire_gathers(g + NBUF, b)
            return 0

        lax.fori_loop(0, chunks // NBUF - 1, outer, 0)

        for b in range(NBUF):
            finish_chunk(chunks - NBUF + b, b)

    return gather_kernel


def kernel(input_, weight):
    batch, seq = input_.shape
    vocab, dim = weight.shape
    total = batch * seq

    padded = _transpose_table(vocab, dim)(weight.T)
    table = padded.reshape(vocab * PAD_FACTOR, ROW_WORDS)

    idxf = input_.reshape(total).astype(jnp.int32)
    idx2 = (idxf[:, None] * PAD_FACTOR
            + jnp.arange(SPLIT, dtype=jnp.int32)[None, :])
    idx2 = idx2.reshape(total * SPLIT // IDX_MINOR, IDX_MINOR)

    lin = _make_gather(total)(idx2, table)
    lin_b = lin.reshape(batch, seq * dim)
    out_t = _transpose_out(batch, seq * dim)(lin_b)
    return jnp.transpose(
        out_t.reshape(seq, dim, batch), (2, 0, 1))

# --- scband reference (transcript-rebuilt; emitter-appended) ---
"""Pipeline reference for scband-vocab-parallel-embedding-38096359916281 (READ-ONLY COPY).

The authoritative reference and input builder live on the scoring server;
editing this copy changes nothing except your own understanding.
"""

import jax, jax.numpy as jnp
import numpy as np

NUM_EMBEDDINGS = 1000000
EMBEDDING_DIM = 64

def setup_inputs(seed: int = 0) -> dict:
    key = jax.random.key(seed)
    k_idx, k_w = jax.random.split(key)
    input_ = jax.random.randint(k_idx, (16384, 50), 0, NUM_EMBEDDINGS, dtype=jnp.int64 if jax.config.jax_enable_x64 else jnp.int32)
    # xavier_normal_ init for the embedding table (fan_in=embedding_dim, fan_out=num_embeddings)
    std = float(np.sqrt(2.0 / (NUM_EMBEDDINGS + EMBEDDING_DIM)))
    weight = jax.random.normal(k_w, (NUM_EMBEDDINGS, EMBEDDING_DIM), dtype=jnp.float32) * std
    return {"input_": input_, "weight": weight}

def reference(input_, weight):
    vocab_start_index = 0
    vocab_end_index = weight.shape[0]
    # mask out-of-range vocab entries (all false in single-partition case, kept for faithfulness)
    input_mask = (input_ < vocab_start_index) | (input_ >= vocab_end_index)
    masked_input = input_ - vocab_start_index
    masked_input = jnp.where(input_mask, 0, masked_input)
    output_parallel = jnp.take(weight, masked_input, axis=0)
    output = jnp.where(input_mask[..., None], 0.0, output_parallel)
    return output

if __name__ == "__main__":
    import jax
    _d = setup_inputs()
    print(jax.jit(kernel)(*tuple(_d.values())))

</pallas_src>

<mosaic_0001>
#map = affine_map<(d0, d1) -> (0, 0)>
module attributes {stable_mosaic.version = 14 : i64} {
  func.func @gather_kernel(%arg0: i32, %arg1: i32, %arg2: memref<12800x128xi32, #tpu.memory_space<hbm>>, %arg3: memref<4000000x32xf32, #tpu.memory_space<hbm>>, %arg4: memref<1638400x32xf32, #tpu.memory_space<hbm>>, %arg5: memref<400x128xi32, #tpu.memory_space<vmem>>, %arg6: memref<512x32xf32, #tpu.memory_space<vmem>>, %arg7: memref<512x32xf32, #tpu.memory_space<vmem>>, %arg8: memref<512x32xf32, #tpu.memory_space<vmem>>, %arg9: memref<512x32xf32, #tpu.memory_space<vmem>>, %arg10: memref<!tpu.dma_semaphore, #tpu.memory_space<semaphore_mem>>, %arg11: memref<!tpu.dma_semaphore, #tpu.memory_space<semaphore_mem>>, %arg12: memref<!tpu.dma_semaphore, #tpu.memory_space<semaphore_mem>>, %arg13: memref<!tpu.dma_semaphore, #tpu.memory_space<semaphore_mem>>) attributes {dimension_semantics = [#tpu.dimension_semantics<core_parallel>, #tpu.dimension_semantics<subcore_parallel>], iteration_bounds = array<i64: 2, 16>, scalar_prefetch = 0 : i64, scratch_operands = 9 : i64, tpu.core_type = #tpu.core_type<sc_vector_subcore>, window_params = [{transform_indices = #map}, {transform_indices = #map}, {transform_indices = #map}]} {
    %mul3A = arith.constant 2 : i32
    %mul3A_0 = arith.muli %arg1, %mul3A : i32
    %add3A = arith.addi %mul3A_0, %arg0 : i32
    %mul3A_1 = arith.constant 400 : i32
    %mul3A_2 = arith.muli %add3A, %mul3A_1 : i32
    "tpu.region"() ({
      %run_scoped3A = tpu.sem_alloc : memref<!tpu.dma_semaphore, #tpu.memory_space<semaphore_mem>>
      %dma_start3A_239 = arith.constant 0 : i32
      %dma_start3A_240 = tpu.memref_slice %arg2[%mul3A_2, %dma_start3A_239] : memref<12800x128xi32, #tpu.memory_space<hbm>> -> memref<400x128xi32, #tpu.memory_space<hbm>>
      %dma_start3A_241 = arith.constant 0 : i32
      %dma_start3A_242 = tpu.memref_slice %arg2[%mul3A_2, %dma_start3A_241] : memref<12800x128xi32, #tpu.memory_space<hbm>> -> memref<400x128xi32, #tpu.memory_space<hbm>>
      tpu.enqueue_dma source(%dma_start3A_242 : memref<400x128xi32, #tpu.memory_space<hbm>>) target(%arg5 : memref<400x128xi32, #tpu.memory_space<vmem>>) target_semaphore(%run_scoped3A : memref<!tpu.dma_semaphore, #tpu.memory_space<semaphore_mem>>)
      %dma_wait3A_243 = arith.constant 0 : i32
      %dma_wait3A_244 = tpu.memref_slice %arg2[%mul3A_2, %dma_wait3A_243] : memref<12800x128xi32, #tpu.memory_space<hbm>> -> memref<400x128xi32, #tpu.memory_space<hbm>>
      %dma_wait3A_245 = arith.constant 0 : i32
      %dma_wait3A_246 = tpu.memref_slice %arg2[%mul3A_2, %dma_wait3A_245] : memref<12800x128xi32, #tpu.memory_space<hbm>> -> memref<400x128xi32, #tpu.memory_space<hbm>>
      tpu.wait_dma2 semaphore(%run_scoped3A : memref<!tpu.dma_semaphore, #tpu.memory_space<semaphore_mem>>) src(%dma_wait3A_246 : memref<400x128xi32, #tpu.memory_space<hbm>>) dst(%arg5 : memref<400x128xi32, #tpu.memory_space<vmem>>)
      tpu.yield
    }) : () -> ()
    %dma_start3A = arith.constant 0 : i32
    %dma_start3A_3 = arith.constant 0 : i32
    %dma_start3A_4 = arith.constant 0 : i32
    %dma_start3A_5 = tpu.memref_slice %arg6[%dma_start3A_3, %dma_start3A_4] : memref<512x32xf32, #tpu.memory_space<vmem>> -> memref<128x32xf32, #tpu.memory_space<vmem>>
    %dma_start3A_6 = arith.constant 0 : i32
    %dma_start3A_7 = tpu.memref_slice %arg5[%dma_start3A, %dma_start3A_6] : memref<400x128xi32, #tpu.memory_space<vmem>> -> memref<1x128xi32, #tpu.memory_space<vmem>>
    %dma_start3A_8 = tpu.memref_squeeze %dma_start3A_7 : memref<1x128xi32, #tpu.memory_space<vmem>> -> memref<128xi32, #tpu.memory_space<vmem>>
    %dma_start3A_9 = arith.constant 0 : i32
    %dma_start3A_10 = arith.constant 0 : i32
    %dma_start3A_11 = tpu.memref_slice %arg3[%dma_start3A_9, %dma_start3A_10] : memref<4000000x32xf32, #tpu.memory_space<hbm>> -> memref<4000000x32xf32, #tpu.memory_space<hbm>>
    tpu.enqueue_indirect_dma source(%dma_start3A_11 : memref<4000000x32xf32, #tpu.memory_space<hbm>>) target(%dma_start3A_5 : memref<128x32xf32, #tpu.memory_space<vmem>>) offsets(%dma_start3A_8 : memref<128xi32, #tpu.memory_space<vmem>>) semaphore(%arg10 : memref<!tpu.dma_semaphore, #tpu.memory_space<semaphore_mem>>)
    %dma_start3A_12 = arith.constant 1 : i32
    %dma_start3A_13 = arith.constant 128 : i32
    %dma_start3A_14 = arith.constant 0 : i32
    %dma_start3A_15 = tpu.memref_slice %arg6[%dma_start3A_13, %dma_start3A_14] : memref<512x32xf32, #tpu.memory_space<vmem>> -> memref<128x32xf32, #tpu.memory_space<vmem>>
    %dma_start3A_16 = arith.constant 0 : i32
    %dma_start3A_17 = tpu.memref_slice %arg5[%dma_start3A_12, %dma_start3A_16] : memref<400x128xi32, #tpu.memory_space<vmem>> -> memref<1x128xi32, #tpu.memory_space<vmem>>
    %dma_start3A_18 = tpu.memref_squeeze %dma_start3A_17 : memref<1x128xi32, #tpu.memory_space<vmem>> -> memref<128xi32, #tpu.memory_space<vmem>>
    %dma_start3A_19 = arith.constant 0 : i32
    %dma_start3A_20 = arith.constant 0 : i32
    %dma_start3A_21 = tpu.memref_slice %arg3[%dma_start3A_19, %dma_start3A_20] : memref<4000000x32xf32, #tpu.memory_space<hbm>> -> memref<4000000x32xf32, #tpu.memory_space<hbm>>
    tpu.enqueue_indirect_dma source(%dma_start3A_21 : memref<4000000x32xf32, #tpu.memory_space<hbm>>) target(%dma_start3A_15 : memref<128x32xf32, #tpu.memory_space<vmem>>) offsets(%dma_start3A_18 : memref<128xi32, #tpu.memory_space<vmem>>) semaphore(%arg10 : memref<!tpu.dma_semaphore, #tpu.memory_space<semaphore_mem>>)
    %dma_start3A_22 = arith.constant 2 : i32
    %dma_start3A_23 = arith.constant 256 : i32
    %dma_start3A_24 = arith.constant 0 : i32
    %dma_start3A_25 = tpu.memref_slice %arg6[%dma_start3A_23, %dma_start3A_24] : memref<512x32xf32, #tpu.memory_space<vmem>> -> memref<128x32xf32, #tpu.memory_space<vmem>>
    %dma_start3A_26 = arith.constant 0 : i32
    %dma_start3A_27 = tpu.memref_slice %arg5[%dma_start3A_22, %dma_start3A_26] : memref<400x128xi32, #tpu.memory_space<vmem>> -> memref<1x128xi32, #tpu.memory_space<vmem>>
    %dma_start3A_28 = tpu.memref_squeeze %dma_start3A_27 : memref<1x128xi32, #tpu.memory_space<vmem>> -> memref<128xi32, #tpu.memory_space<vmem>>
    %dma_start3A_29 = arith.constant 0 : i32
    %dma_start3A_30 = arith.constant 0 : i32
    %dma_start3A_31 = tpu.memref_slice %arg3[%dma_start3A_29, %dma_start3A_30] : memref<4000000x32xf32, #tpu.memory_space<hbm>> -> memref<4000000x32xf32, #tpu.memory_space<hbm>>
    tpu.enqueue_indirect_dma source(%dma_start3A_31 : memref<4000000x32xf32, #tpu.memory_space<hbm>>) target(%dma_start3A_25 : memref<128x32xf32, #tpu.memory_space<vmem>>) offsets(%dma_start3A_28 : memref<128xi32, #tpu.memory_space<vmem>>) semaphore(%arg10 : memref<!tpu.dma_semaphore, #tpu.memory_space<semaphore_mem>>)
    %dma_start3A_32 = arith.constant 3 : i32
    %dma_start3A_33 = arith.constant 384 : i32
    %dma_start3A_34 = arith.constant 0 : i32
    %dma_start3A_35 = tpu.memref_slice %arg6[%dma_start3A_33, %dma_start3A_34] : memref<512x32xf32, #tpu.memory_space<vmem>> -> memref<128x32xf32, #tpu.memory_space<vmem>>
    %dma_start3A_36 = arith.constant 0 : i32
    %dma_start3A_37 = tpu.memref_slice %arg5[%dma_start3A_32, %dma_start3A_36] : memref<400x128xi32, #tpu.memory_space<vmem>> -> memref<1x128xi32, #tpu.memory_space<vmem>>
    %dma_start3A_38 = tpu.memref_squeeze %dma_start3A_37 : memref<1x128xi32, #tpu.memory_space<vmem>> -> memref<128xi32, #tpu.memory_space<vmem>>
    %dma_start3A_39 = arith.constant 0 : i32
    %dma_start3A_40 = arith.constant 0 : i32
    %dma_start3A_41 = tpu.memref_slice %arg3[%dma_start3A_39, %dma_start3A_40] : memref<4000000x32xf32, #tpu.memory_space<hbm>> -> memref<4000000x32xf32, #tpu.memory_space<hbm>>
    tpu.enqueue_indirect_dma source(%dma_start3A_41 : memref<4000000x32xf32, #tpu.memory_space<hbm>>) target(%dma_start3A_35 : memref<128x32xf32, #tpu.memory_space<vmem>>) offsets(%dma_start3A_38 : memref<128xi32, #tpu.memory_space<vmem>>) semaphore(%arg10 : memref<!tpu.dma_semaphore, #tpu.memory_space<semaphore_mem>>)
    %dma_start3A_42 = arith.constant 4 : i32
    %dma_start3A_43 = arith.constant 0 : i32
    %dma_start3A_44 = arith.constant 0 : i32
    %dma_start3A_45 = tpu.memref_slice %arg7[%dma_start3A_43, %dma_start3A_44] : memref<512x32xf32, #tpu.memory_space<vmem>> -> memref<128x32xf32, #tpu.memory_space<vmem>>
    %dma_start3A_46 = arith.constant 0 : i32
    %dma_start3A_47 = tpu.memref_slice %arg5[%dma_start3A_42, %dma_start3A_46] : memref<400x128xi32, #tpu.memory_space<vmem>> -> memref<1x128xi32, #tpu.memory_space<vmem>>
    %dma_start3A_48 = tpu.memref_squeeze %dma_start3A_47 : memref<1x128xi32, #tpu.memory_space<vmem>> -> memref<128xi32, #tpu.memory_space<vmem>>
    %dma_start3A_49 = arith.constant 0 : i32
    %dma_start3A_50 = arith.constant 0 : i32
    %dma_start3A_51 = tpu.memref_slice %arg3[%dma_start3A_49, %dma_start3A_50] : memref<4000000x32xf32, #tpu.memory_space<hbm>> -> memref<4000000x32xf32, #tpu.memory_space<hbm>>
    tpu.enqueue_indirect_dma source(%dma_start3A_51 : memref<4000000x32xf32, #tpu.memory_space<hbm>>) target(%dma_start3A_45 : memref<128x32xf32, #tpu.memory_space<vmem>>) offsets(%dma_start3A_48 : memref<128xi32, #tpu.memory_space<vmem>>) semaphore(%arg11 : memref<!tpu.dma_semaphore, #tpu.memory_space<semaphore_mem>>)
    %dma_start3A_52 = arith.constant 5 : i32
    %dma_start3A_53 = arith.constant 128 : i32
    %dma_start3A_54 = arith.constant 0 : i32
    %dma_start3A_55 = tpu.memref_slice %arg7[%dma_start3A_53, %dma_start3A_54] : memref<512x32xf32, #tpu.memory_space<vmem>> -> memref<128x32xf32, #tpu.memory_space<vmem>>
    %dma_start3A_56 = arith.constant 0 : i32
    %dma_start3A_57 = tpu.memref_slice %arg5[%dma_start3A_52, %dma_start3A_56] : memref<400x128xi32, #tpu.memory_space<vmem>> -> memref<1x128xi32, #tpu.memory_space<vmem>>
    %dma_start3A_58 = tpu.memref_squeeze %dma_start3A_57 : memref<1x128xi32, #tpu.memory_space<vmem>> -> memref<128xi32, #tpu.memory_space<vmem>>
    %dma_start3A_59 = arith.constant 0 : i32
    %dma_start3A_60 = arith.constant 0 : i32
    %dma_start3A_61 = tpu.memref_slice %arg3[%dma_start3A_59, %dma_start3A_60] : memref<4000000x32xf32, #tpu.memory_space<hbm>> -> memref<4000000x32xf32, #tpu.memory_space<hbm>>
    tpu.enqueue_indirect_dma source(%dma_start3A_61 : memref<4000000x32xf32, #tpu.memory_space<hbm>>) target(%dma_start3A_55 : memref<128x32xf32, #tpu.memory_space<vmem>>) offsets(%dma_start3A_58 : memref<128xi32, #tpu.memory_space<vmem>>) semaphore(%arg11 : memref<!tpu.dma_semaphore, #tpu.memory_space<semaphore_mem>>)
    %dma_start3A_62 = arith.constant 6 : i32
    %dma_start3A_63 = arith.constant 256 : i32
    %dma_start3A_64 = arith.constant 0 : i32
    %dma_start3A_65 = tpu.memref_slice %arg7[%dma_start3A_63, %dma_start3A_64] : memref<512x32xf32, #tpu.memory_space<vmem>> -> memref<128x32xf32, #tpu.memory_space<vmem>>
    %dma_start3A_66 = arith.constant 0 : i32
    %dma_start3A_67 = tpu.memref_slice %arg5[%dma_start3A_62, %dma_start3A_66] : memref<400x128xi32, #tpu.memory_space<vmem>> -> memref<1x128xi32, #tpu.memory_space<vmem>>
    %dma_start3A_68 = tpu.memref_squeeze %dma_start3A_67 : memref<1x128xi32, #tpu.memory_space<vmem>> -> memref<128xi32, #tpu.memory_space<vmem>>
    %dma_start3A_69 = arith.constant 0 : i32
    %dma_start3A_70 = arith.constant 0 : i32
    %dma_start3A_71 = tpu.memref_slice %arg3[%dma_start3A_69, %dma_start3A_70] : memref<4000000x32xf32, #tpu.memory_space<hbm>> -> memref<4000000x32xf32, #tpu.memory_space<hbm>>
    tpu.enqueue_indirect_dma source(%dma_start3A_71 : memref<4000000x32xf32, #tpu.memory_space<hbm>>) target(%dma_start3A_65 : memref<128x32xf32, #tpu.memory_space<vmem>>) offsets(%dma_start3A_68 : memref<128xi32, #tpu.memory_space<vmem>>) semaphore(%arg11 : memref<!tpu.dma_semaphore, #tpu.memory_space<semaphore_mem>>)
    %dma_start3A_72 = arith.constant 7 : i32
    %dma_start3A_73 = arith.constant 384 : i32
    %dma_start3A_74 = arith.constant 0 : i32
    %dma_start3A_75 = tpu.memref_slice %arg7[%dma_start3A_73, %dma_start3A_74] : memref<512x32xf32, #tpu.memory_space<vmem>> -> memref<128x32xf32, #tpu.memory_space<vmem>>
    %dma_start3A_76 = arith.constant 0 : i32
    %dma_start3A_77 = tpu.memref_slice %arg5[%dma_start3A_72, %dma_start3A_76] : memref<400x128xi32, #tpu.memory_space<vmem>> -> memref<1x128xi32, #tpu.memory_space<vmem>>
    %dma_start3A_78 = tpu.memref_squeeze %dma_start3A_77 : memref<1x128xi32, #tpu.memory_space<vmem>> -> memref<128xi32, #tpu.memory_space<vmem>>
    %dma_start3A_79 = arith.constant 0 : i32
    %dma_start3A_80 = arith.constant 0 : i32
    %dma_start3A_81 = tpu.memref_slice %arg3[%dma_start3A_79, %dma_start3A_80] : memref<4000000x32xf32, #tpu.memory_space<hbm>> -> memref<4000000x32xf32, #tpu.memory_space<hbm>>
    tpu.enqueue_indirect_dma source(%dma_start3A_81 : memref<4000000x32xf32, #tpu.memory_space<hbm>>) target(%dma_start3A_75 : memref<128x32xf32, #tpu.memory_space<vmem>>) offsets(%dma_start3A_78 : memref<128xi32, #tpu.memory_space<vmem>>) semaphore(%arg11 : memref<!tpu.dma_semaphore, #tpu.memory_space<semaphore_mem>>)
    %dma_start3A_82 = arith.constant 8 : i32
    %dma_start3A_83 = arith.constant 0 : i32
    %dma_start3A_84 = arith.constant 0 : i32
    %dma_start3A_85 = tpu.memref_slice %arg8[%dma_start3A_83, %dma_start3A_84] : memref<512x32xf32, #tpu.memory_space<vmem>> -> memref<128x32xf32, #tpu.memory_space<vmem>>
    %dma_start3A_86 = arith.constant 0 : i32
    %dma_start3A_87 = tpu.memref_slice %arg5[%dma_start3A_82, %dma_start3A_86] : memref<400x128xi32, #tpu.memory_space<vmem>> -> memref<1x128xi32, #tpu.memory_space<vmem>>
    %dma_start3A_88 = tpu.memref_squeeze %dma_start3A_87 : memref<1x128xi32, #tpu.memory_space<vmem>> -> memref<128xi32, #tpu.memory_space<vmem>>
    %dma_start3A_89 = arith.constant 0 : i32
    %dma_start3A_90 = arith.constant 0 : i32
    %dma_start3A_91 = tpu.memref_slice %arg3[%dma_start3A_89, %dma_start3A_90] : memref<4000000x32xf32, #tpu.memory_space<hbm>> -> memref<4000000x32xf32, #tpu.memory_space<hbm>>
    tpu.enqueue_indirect_dma source(%dma_start3A_91 : memref<4000000x32xf32, #tpu.memory_space<hbm>>) target(%dma_start3A_85 : memref<128x32xf32, #tpu.memory_space<vmem>>) offsets(%dma_start3A_88 : memref<128xi32, #tpu.memory_space<vmem>>) semaphore(%arg12 : memref<!tpu.dma_semaphore, #tpu.memory_space<semaphore_mem>>)
    %dma_start3A_92 = arith.constant 9 : i32
    %dma_start3A_93 = arith.constant 128 : i32
    %dma_start3A_94 = arith.constant 0 : i32
    %dma_start3A_95 = tpu.memref_slice %arg8[%dma_start3A_93, %dma_start3A_94] : memref<512x32xf32, #tpu.memory_space<vmem>> -> memref<128x32xf32, #tpu.memory_space<vmem>>
    %dma_start3A_96 = arith.constant 0 : i32
    %dma_start3A_97 = tpu.memref_slice %arg5[%dma_start3A_92, %dma_start3A_96] : memref<400x128xi32, #tpu.memory_space<vmem>> -> memref<1x128xi32, #tpu.memory_space<vmem>>
    %dma_start3A_98 = tpu.memref_squeeze %dma_start3A_97 : memref<1x128xi32, #tpu.memory_space<vmem>> -> memref<128xi32, #tpu.memory_space<vmem>>
    %dma_start3A_99 = arith.constant 0 : i32
    %dma_start3A_100 = arith.constant 0 : i32
    %dma_start3A_101 = tpu.memref_slice %arg3[%dma_start3A_99, %dma_start3A_100] : memref<4000000x32xf32, #tpu.memory_space<hbm>> -> memref<4000000x32xf32, #tpu.memory_space<hbm>>
    tpu.enqueue_indirect_dma source(%dma_start3A_101 : memref<4000000x32xf32, #tpu.memory_space<hbm>>) target(%dma_start3A_95 : memref<128x32xf32, #tpu.memory_space<vmem>>) offsets(%dma_start3A_98 : memref<128xi32, #tpu.memory_space<vmem>>) semaphore(%arg12 : memref<!tpu.dma_semaphore, #tpu.memory_space<semaphore_mem>>)
    %dma_start3A_102 = arith.constant 10 : i32
    %dma_start3A_103 = arith.constant 256 : i32
    %dma_start3A_104 = arith.constant 0 : i32
    %dma_start3A_105 = tpu.memref_slice %arg8[%dma_start3A_103, %dma_start3A_104] : memref<512x32xf32, #tpu.memory_space<vmem>> -> memref<128x32xf32, #tpu.memory_space<vmem>>
    %dma_start3A_106 = arith.constant 0 : i32
    %dma_start3A_107 = tpu.memref_slice %arg5[%dma_start3A_102, %dma_start3A_106] : memref<400x128xi32, #tpu.memory_space<vmem>> -> memref<1x128xi32, #tpu.memory_space<vmem>>
    %dma_start3A_108 = tpu.memref_squeeze %dma_start3A_107 : memref<1x128xi32, #tpu.memory_space<vmem>> -> memref<128xi32, #tpu.memory_space<vmem>>
    %dma_start3A_109 = arith.constant 0 : i32
    %dma_start3A_110 = arith.constant 0 : i32
    %dma_start3A_111 = tpu.memref_slice %arg3[%dma_start3A_109, %dma_start3A_110] : memref<4000000x32xf32, #tpu.memory_space<hbm>> -> memref<4000000x32xf32, #tpu.memory_space<hbm>>
    tpu.enqueue_indirect_dma source(%dma_start3A_111 : memref<4000000x32xf32, #tpu.memory_space<hbm>>) target(%dma_start3A_105 : memref<128x32xf32, #tpu.memory_space<vmem>>) offsets(%dma_start3A_108 : memref<128xi32, #tpu.memory_space<vmem>>) semaphore(%arg12 : memref<!tpu.dma_semaphore, #tpu.memory_space<semaphore_mem>>)
    %dma_start3A_112 = arith.constant 11 : i32
    %dma_start3A_113 = arith.constant 384 : i32
    %dma_start3A_114 = arith.constant 0 : i32
    %dma_start3A_115 = tpu.memref_slice %arg8[%dma_start3A_113, %dma_start3A_114] : memref<512x32xf32, #tpu.memory_space<vmem>> -> memref<128x32xf32, #tpu.memory_space<vmem>>
    %dma_start3A_116 = arith.constant 0 : i32
    %dma_start3A_117 = tpu.memref_slice %arg5[%dma_start3A_112, %dma_start3A_116] : memref<400x128xi32, #tpu.memory_space<vmem>> -> memref<1x128xi32, #tpu.memory_space<vmem>>
    %dma_start3A_118 = tpu.memref_squeeze %dma_start3A_117 : memref<1x128xi32, #tpu.memory_space<vmem>> -> memref<128xi32, #tpu.memory_space<vmem>>
    %dma_start3A_119 = arith.constant 0 : i32
    %dma_start3A_120 = arith.constant 0 : i32
    %dma_start3A_121 = tpu.memref_slice %arg3[%dma_start3A_119, %dma_start3A_120] : memref<4000000x32xf32, #tpu.memory_space<hbm>> -> memref<4000000x32xf32, #tpu.memory_space<hbm>>
    tpu.enqueue_indirect_dma source(%dma_start3A_121 : memref<4000000x32xf32, #tpu.memory_space<hbm>>) target(%dma_start3A_115 : memref<128x32xf32, #tpu.memory_space<vmem>>) offsets(%dma_start3A_118 : memref<128xi32, #tpu.memory_space<vmem>>) semaphore(%arg12 : memref<!tpu.dma_semaphore, #tpu.memory_space<semaphore_mem>>)
    %dma_start3A_122 = arith.constant 12 : i32
    %dma_start3A_123 = arith.constant 0 : i32
    %dma_start3A_124 = arith.constant 0 : i32
    %dma_start3A_125 = tpu.memref_slice %arg9[%dma_start3A_123, %dma_start3A_124] : memref<512x32xf32, #tpu.memory_space<vmem>> -> memref<128x32xf32, #tpu.memory_space<vmem>>
    %dma_start3A_126 = arith.constant 0 : i32
    %dma_start3A_127 = tpu.memref_slice %arg5[%dma_start3A_122, %dma_start3A_126] : memref<400x128xi32, #tpu.memory_space<vmem>> -> memref<1x128xi32, #tpu.memory_space<vmem>>
    %dma_start3A_128 = tpu.memref_squeeze %dma_start3A_127 : memref<1x128xi32, #tpu.memory_space<vmem>> -> memref<128xi32, #tpu.memory_space<vmem>>
    %dma_start3A_129 = arith.constant 0 : i32
    %dma_start3A_130 = arith.constant 0 : i32
    %dma_start3A_131 = tpu.memref_slice %arg3[%dma_start3A_129, %dma_start3A_130] : memref<4000000x32xf32, #tpu.memory_space<hbm>> -> memref<4000000x32xf32, #tpu.memory_space<hbm>>
    tpu.enqueue_indirect_dma source(%dma_start3A_131 : memref<4000000x32xf32, #tpu.memory_space<hbm>>) target(%dma_start3A_125 : memref<128x32xf32, #tpu.memory_space<vmem>>) offsets(%dma_start3A_128 : memref<128xi32, #tpu.memory_space<vmem>>) semaphore(%arg13 : memref<!tpu.dma_semaphore, #tpu.memory_space<semaphore_mem>>)
    %dma_start3A_132 = arith.constant 13 : i32
    %dma_start3A_133 = arith.constant 128 : i32
    %dma_start3A_134 = arith.constant 0 : i32
    %dma_start3A_135 = tpu.memref_slice %arg9[%dma_start3A_133, %dma_start3A_134] : memref<512x32xf32, #tpu.memory_space<vmem>> -> memref<128x32xf32, #tpu.memory_space<vmem>>
    %dma_start3A_136 = arith.constant 0 : i32
    %dma_start3A_137 = tpu.memref_slice %arg5[%dma_start3A_132, %dma_start3A_136] : memref<400x128xi32, #tpu.memory_space<vmem>> -> memref<1x128xi32, #tpu.memory_space<vmem>>
    %dma_start3A_138 = tpu.memref_squeeze %dma_start3A_137 : memref<1x128xi32, #tpu.memory_space<vmem>> -> memref<128xi32, #tpu.memory_space<vmem>>
    %dma_start3A_139 = arith.constant 0 : i32
    %dma_start3A_140 = arith.constant 0 : i32
    %dma_start3A_141 = tpu.memref_slice %arg3[%dma_start3A_139, %dma_start3A_140] : memref<4000000x32xf32, #tpu.memory_space<hbm>> -> memref<4000000x32xf32, #tpu.memory_space<hbm>>
    tpu.enqueue_indirect_dma source(%dma_start3A_141 : memref<4000000x32xf32, #tpu.memory_space<hbm>>) target(%dma_start3A_135 : memref<128x32xf32, #tpu.memory_space<vmem>>) offsets(%dma_start3A_138 : memref<128xi32, #tpu.memory_space<vmem>>) semaphore(%arg13 : memref<!tpu.dma_semaphore, #tpu.memory_space<semaphore_mem>>)
    %dma_start3A_142 = arith.constant 14 : i32
    %dma_start3A_143 = arith.constant 256 : i32
    %dma_start3A_144 = arith.constant 0 : i32
    %dma_start3A_145 = tpu.memref_slice %arg9[%dma_start3A_143, %dma_start3A_144] : memref<512x32xf32, #tpu.memory_space<vmem>> -> memref<128x32xf32, #tpu.memory_space<vmem>>
    %dma_start3A_146 = arith.constant 0 : i32
    %dma_start3A_147 = tpu.memref_slice %arg5[%dma_start3A_142, %dma_start3A_146] : memref<400x128xi32, #tpu.memory_space<vmem>> -> memref<1x128xi32, #tpu.memory_space<vmem>>
    %dma_start3A_148 = tpu.memref_squeeze %dma_start3A_147 : memref<1x128xi32, #tpu.memory_space<vmem>> -> memref<128xi32, #tpu.memory_space<vmem>>
    %dma_start3A_149 = arith.constant 0 : i32
    %dma_start3A_150 = arith.constant 0 : i32
    %dma_start3A_151 = tpu.memref_slice %arg3[%dma_start3A_149, %dma_start3A_150] : memref<4000000x32xf32, #tpu.memory_space<hbm>> -> memref<4000000x32xf32, #tpu.memory_space<hbm>>
    tpu.enqueue_indirect_dma source(%dma_start3A_151 : memref<4000000x32xf32, #tpu.memory_space<hbm>>) target(%dma_start3A_145 : memref<128x32xf32, #tpu.memory_space<vmem>>) offsets(%dma_start3A_148 : memref<128xi32, #tpu.memory_space<vmem>>) semaphore(%arg13 : memref<!tpu.dma_semaphore, #tpu.memory_space<semaphore_mem>>)
    %dma_start3A_152 = arith.constant 15 : i32
    %dma_start3A_153 = arith.constant 384 : i32
    %dma_start3A_154 = arith.constant 0 : i32
    %dma_start3A_155 = tpu.memref_slice %arg9[%dma_start3A_153, %dma_start3A_154] : memref<512x32xf32, #tpu.memory_space<vmem>> -> memref<128x32xf32, #tpu.memory_space<vmem>>
    %dma_start3A_156 = arith.constant 0 : i32
    %dma_start3A_157 = tpu.memref_slice %arg5[%dma_start3A_152, %dma_start3A_156] : memref<400x128xi32, #tpu.memory_space<vmem>> -> memref<1x128xi32, #tpu.memory_space<vmem>>
    %dma_start3A_158 = tpu.memref_squeeze %dma_start3A_157 : memref<1x128xi32, #tpu.memory_space<vmem>> -> memref<128xi32, #tpu.memory_space<vmem>>
    %dma_start3A_159 = arith.constant 0 : i32
    %dma_start3A_160 = arith.constant 0 : i32
    %dma_start3A_161 = tpu.memref_slice %arg3[%dma_start3A_159, %dma_start3A_160] : memref<4000000x32xf32, #tpu.memory_space<hbm>> -> memref<4000000x32xf32, #tpu.memory_space<hbm>>
    tpu.enqueue_indirect_dma source(%dma_start3A_161 : memref<4000000x32xf32, #tpu.memory_space<hbm>>) target(%dma_start3A_155 : memref<128x32xf32, #tpu.memory_space<vmem>>) offsets(%dma_start3A_158 : memref<128xi32, #tpu.memory_space<vmem>>) semaphore(%arg13 : memref<!tpu.dma_semaphore, #tpu.memory_space<semaphore_mem>>)
    %scan3A = arith.constant 0 : i32
    %scan3A_162 = arith.constant 0 : i32
    %scan3A_163 = arith.constant 24 : i32
    %scan3A_164 = arith.addi %scan3A_162, %scan3A_163 : i32
    %scan3A_165 = arith.constant 1 : i32
    %scan3A_166 = scf.for %scan3A_239 = %scan3A_162 to %scan3A_164 step %scan3A_165 iter_args(%scan3A_240 = %scan3A) -> (i32)  : i32 {
      %mul3A_241 = arith.constant 4 : i32
      %mul3A_242 = arith.muli %scan3A_239, %mul3A_241 : i32
      %add3A_243 = arith.constant 0 : i32
      %add3A_244 = arith.addi %mul3A_242, %add3A_243 : i32
      %dma_wait3A_245 = arith.constant 0 : i32
      %dma_wait3A_246 = arith.constant 0 : i32
      %dma_wait3A_247 = tpu.memref_slice %arg4[%dma_wait3A_245, %dma_wait3A_246] : memref<1638400x32xf32, #tpu.memory_space<hbm>> -> memref<512x32xf32, #tpu.memory_space<hbm>>
      %dma_wait3A_248 = arith.constant 0 : i32
      %dma_wait3A_249 = arith.constant 0 : i32
      %dma_wait3A_250 = tpu.memref_slice %arg4[%dma_wait3A_248, %dma_wait3A_249] : memref<1638400x32xf32, #tpu.memory_space<hbm>> -> memref<512x32xf32, #tpu.memory_space<hbm>>
      tpu.wait_dma2 semaphore(%arg10 : memref<!tpu.dma_semaphore, #tpu.memory_space<semaphore_mem>>) src(%dma_wait3A_250 : memref<512x32xf32, #tpu.memory_space<hbm>>) dst(%arg6 : memref<512x32xf32, #tpu.memory_space<vmem>>)
      %mul3A_251 = arith.constant 4 : i32
      %mul3A_252 = arith.muli %add3A_244, %mul3A_251 : i32
      %add3A_253 = arith.addi %mul3A_2, %mul3A_252 : i32
      %mul3A_254 = arith.constant 128 : i32
      %mul3A_255 = arith.muli %add3A_253, %mul3A_254 : i32
      %dma_start3A_256 = arith.constant 0 : i32
      %dma_start3A_257 = tpu.memref_slice %arg4[%mul3A_255, %dma_start3A_256] : memref<1638400x32xf32, #tpu.memory_space<hbm>> -> memref<512x32xf32, #tpu.memory_space<hbm>>
      %dma_start3A_258 = arith.constant 0 : i32
      %dma_start3A_259 = tpu.memref_slice %arg4[%mul3A_255, %dma_start3A_258] : memref<1638400x32xf32, #tpu.memory_space<hbm>> -> memref<512x32xf32, #tpu.memory_space<hbm>>
      tpu.enqueue_dma source(%arg6 : memref<512x32xf32, #tpu.memory_space<vmem>>) target(%dma_start3A_259 : memref<512x32xf32, #tpu.memory_space<hbm>>) target_semaphore(%arg10 : memref<!tpu.dma_semaphore, #tpu.memory_space<semaphore_mem>>)
      %dma_wait3A_260 = arith.constant 0 : i32
      %dma_wait3A_261 = tpu.memref_slice %arg4[%mul3A_255, %dma_wait3A_260] : memref<1638400x32xf32, #tpu.memory_space<hbm>> -> memref<512x32xf32, #tpu.memory_space<hbm>>
      %dma_wait3A_262 = arith.constant 0 : i32
      %dma_wait3A_263 = tpu.memref_slice %arg4[%mul3A_255, %dma_wait3A_262] : memref<1638400x32xf32, #tpu.memory_space<hbm>> -> memref<512x32xf32, #tpu.memory_space<hbm>>
      tpu.wait_dma2 semaphore(%arg10 : memref<!tpu.dma_semaphore, #tpu.memory_space<semaphore_mem>>) src(%arg6 : memref<512x32xf32, #tpu.memory_space<vmem>>) dst(%dma_wait3A_263 : memref<512x32xf32, #tpu.memory_space<hbm>>)
      %add3A_264 = arith.constant 4 : i32
      %add3A_265 = arith.addi %add3A_244, %add3A_264 : i32
      %mul3A_266 = arith.constant 4 : i32
      %mul3A_267 = arith.muli %add3A_265, %mul3A_266 : i32
      %add3A_268 = arith.constant 0 : i32
      %add3A_269 = arith.addi %mul3A_267, %add3A_268 : i32
      %dma_start3A_270 = arith.constant 0 : i32
      %dma_start3A_271 = arith.constant 0 : i32
      %dma_start3A_272 = tpu.memref_slice %arg6[%dma_start3A_270, %dma_start3A_271] : memref<512x32xf32, #tpu.memory_space<vmem>> -> memref<128x32xf32, #tpu.memory_space<vmem>>
      %dma_start3A_273 = arith.constant 0 : i32
      %dma_start3A_274 = tpu.memref_slice %arg5[%add3A_269, %dma_start3A_273] : memref<400x128xi32, #tpu.memory_space<vmem>> -> memref<1x128xi32, #tpu.memory_space<vmem>>
      %dma_start3A_275 = tpu.memref_squeeze %dma_start3A_274 : memref<1x128xi32, #tpu.memory_space<vmem>> -> memref<128xi32, #tpu.memory_space<vmem>>
      %dma_start3A_276 = arith.constant 0 : i32
      %dma_start3A_277 = arith.constant 0 : i32
      %dma_start3A_278 = tpu.memref_slice %arg3[%dma_start3A_276, %dma_start3A_277] : memref<4000000x32xf32, #tpu.memory_space<hbm>> -> memref<4000000x32xf32, #tpu.memory_space<hbm>>
      tpu.enqueue_indirect_dma source(%dma_start3A_278 : memref<4000000x32xf32, #tpu.memory_space<hbm>>) target(%dma_start3A_272 : memref<128x32xf32, #tpu.memory_space<vmem>>) offsets(%dma_start3A_275 : memref<128xi32, #tpu.memory_space<vmem>>) semaphore(%arg10 : memref<!tpu.dma_semaphore, #tpu.memory_space<semaphore_mem>>)
      %mul3A_279 = arith.constant 4 : i32
      %mul3A_280 = arith.muli %add3A_265, %mul3A_279 : i32
      %add3A_281 = arith.constant 1 : i32
      %add3A_282 = arith.addi %mul3A_280, %add3A_281 : i32
      %dma_start3A_283 = arith.constant 128 : i32
      %dma_start3A_284 = arith.constant 0 : i32
      %dma_start3A_285 = tpu.memref_slice %arg6[%dma_start3A_283, %dma_start3A_284] : memref<512x32xf32, #tpu.memory_space<vmem>> -> memref<128x32xf32, #tpu.memory_space<vmem>>
      %dma_start3A_286 = arith.constant 0 : i32
      %dma_start3A_287 = tpu.memref_slice %arg5[%add3A_282, %dma_start3A_286] : memref<400x128xi32, #tpu.memory_space<vmem>> -> memref<1x128xi32, #tpu.memory_space<vmem>>
      %dma_start3A_288 = tpu.memref_squeeze %dma_start3A_287 : memref<1x128xi32, #tpu.memory_space<vmem>> -> memref<128xi32, #tpu.memory_space<vmem>>
      %dma_start3A_289 = arith.constant 0 : i32
      %dma_start3A_290 = arith.constant 0 : i32
      %dma_start3A_291 = tpu.memref_slice %arg3[%dma_start3A_289, %dma_start3A_290] : memref<4000000x32xf32, #tpu.memory_space<hbm>> -> memref<4000000x32xf32, #tpu.memory_space<hbm>>
      tpu.enqueue_indirect_dma source(%dma_start3A_291 : memref<4000000x32xf32, #tpu.memory_space<hbm>>) target(%dma_start3A_285 : memref<128x32xf32, #tpu.memory_space<vmem>>) offsets(%dma_start3A_288 : memref<128xi32, #tpu.memory_space<vmem>>) semaphore(%arg10 : memref<!tpu.dma_semaphore, #tpu.memory_space<semaphore_mem>>)
      %mul3A_292 = arith.constant 4 : i32
      %mul3A_293 = arith.muli %add3A_265, %mul3A_292 : i32
      %add3A_294 = arith.constant 2 : i32
      %add3A_295 = arith.addi %mul3A_293, %add3A_294 : i32
      %dma_start3A_296 = arith.constant 256 : i32
      %dma_start3A_297 = arith.constant 0 : i32
      %dma_start3A_298 = tpu.memref_slice %arg6[%dma_start3A_296, %dma_start3A_297] : memref<512x32xf32, #tpu.memory_space<vmem>> -> memref<128x32xf32, #tpu.memory_space<vmem>>
      %dma_start3A_299 = arith.constant 0 : i32
      %dma_start3A_300 = tpu.memref_slice %arg5[%add3A_295, %dma_start3A_299] : memref<400x128xi32, #tpu.memory_space<vmem>> -> memref<1x128xi32, #tpu.memory_space<vmem>>
      %dma_start3A_301 = tpu.memref_squeeze %dma_start3A_300 : memref<1x128xi32, #tpu.memory_space<vmem>> -> memref<128xi32, #tpu.memory_space<vmem>>
      %dma_start3A_302 = arith.constant 0 : i32
      %dma_start3A_303 = arith.constant 0 : i32
      %dma_start3A_304 = tpu.memref_slice %arg3[%dma_start3A_302, %dma_start3A_303] : memref<4000000x32xf32, #tpu.memory_space<hbm>> -> memref<4000000x32xf32, #tpu.memory_space<hbm>>
      tpu.enqueue_indirect_dma source(%dma_start3A_304 : memref<4000000x32xf32, #tpu.memory_space<hbm>>) target(%dma_start3A_298 : memref<128x32xf32, #tpu.memory_space<vmem>>) offsets(%dma_start3A_301 : memref<128xi32, #tpu.memory_space<vmem>>) semaphore(%arg10 : memref<!tpu.dma_semaphore, #tpu.memory_space<semaphore_mem>>)
      %mul3A_305 = arith.constant 4 : i32
      %mul3A_306 = arith.muli %add3A_265, %mul3A_305 : i32
      %add3A_307 = arith.constant 3 : i32
      %add3A_308 = arith.addi %mul3A_306, %add3A_307 : i32
      %dma_start3A_309 = arith.constant 384 : i32
      %dma_start3A_310 = arith.constant 0 : i32
      %dma_start3A_311 = tpu.memref_slice %arg6[%dma_start3A_309, %dma_start3A_310] : memref<512x32xf32, #tpu.memory_space<vmem>> -> memref<128x32xf32, #tpu.memory_space<vmem>>
      %dma_start3A_312 = arith.constant 0 : i32
      %dma_start3A_313 = tpu.memref_slice %arg5[%add3A_308, %dma_start3A_312] : memref<400x128xi32, #tpu.memory_space<vmem>> -> memref<1x128xi32, #tpu.memory_space<vmem>>
      %dma_start3A_314 = tpu.memref_squeeze %dma_start3A_313 : memref<1x128xi32, #tpu.memory_space<vmem>> -> memref<128xi32, #tpu.memory_space<vmem>>
      %dma_start3A_315 = arith.constant 0 : i32
      %dma_start3A_316 = arith.constant 0 : i32
      %dma_start3A_317 = tpu.memref_slice %arg3[%dma_start3A_315, %dma_start3A_316] : memref<4000000x32xf32, #tpu.memory_space<hbm>> -> memref<4000000x32xf32, #tpu.memory_space<hbm>>
      tpu.enqueue_indirect_dma source(%dma_start3A_317 : memref<4000000x32xf32, #tpu.memory_space<hbm>>) target(%dma_start3A_311 : memref<128x32xf32, #tpu.memory_space<vmem>>) offsets(%dma_start3A_314 : memref<128xi32, #tpu.memory_space<vmem>>) semaphore(%arg10 : memref<!tpu.dma_semaphore, #tpu.memory_space<semaphore_mem>>)
      %mul3A_318 = arith.constant 4 : i32
      %mul3A_319 = arith.muli %scan3A_239, %mul3A_318 : i32
      %add3A_320 = arith.constant 1 : i32
      %add3A_321 = arith.addi %mul3A_319, %add3A_320 : i32
      %dma_wait3A_322 = arith.constant 0 : i32
      %dma_wait3A_323 = arith.constant 0 : i32
      %dma_wait3A_324 = tpu.memref_slice %arg4[%dma_wait3A_322, %dma_wait3A_323] : memref<1638400x32xf32, #tpu.memory_space<hbm>> -> memref<512x32xf32, #tpu.memory_space<hbm>>
      %dma_wait3A_325 = arith.constant 0 : i32
      %dma_wait3A_326 = arith.constant 0 : i32
      %dma_wait3A_327 = tpu.memref_slice %arg4[%dma_wait3A_325, %dma_wait3A_326] : memref<1638400x32xf32, #tpu.memory_space<hbm>> -> memref<512x32xf32, #tpu.memory_space<hbm>>
      tpu.wait_dma2 semaphore(%arg11 : memref<!tpu.dma_semaphore, #tpu.memory_space<semaphore_mem>>) src(%dma_wait3A_327 : memref<512x32xf32, #tpu.memory_space<hbm>>) dst(%arg7 : memref<512x32xf32, #tpu.memory_space<vmem>>)
      %mul3A_328 = arith.constant 4 : i32
      %mul3A_329 = arith.muli %add3A_321, %mul3A_328 : i32
      %add3A_330 = arith.addi %mul3A_2, %mul3A_329 : i32
      %mul3A_331 = arith.constant 128 : i32
      %mul3A_332 = arith.muli %add3A_330, %mul3A_331 : i32
      %dma_start3A_333 = arith.constant 0 : i32
      %dma_start3A_334 = tpu.memref_slice %arg4[%mul3A_332, %dma_start3A_333] : memref<1638400x32xf32, #tpu.memory_space<hbm>> -> memref<512x32xf32, #tpu.memory_space<hbm>>
      %dma_start3A_335 = arith.constant 0 : i32
      %dma_start3A_336 = tpu.memref_slice %arg4[%mul3A_332, %dma_start3A_335] : memref<1638400x32xf32, #tpu.memory_space<hbm>> -> memref<512x32xf32, #tpu.memory_space<hbm>>
      tpu.enqueue_dma source(%arg7 : memref<512x32xf32, #tpu.memory_space<vmem>>) target(%dma_start3A_336 : memref<512x32xf32, #tpu.memory_space<hbm>>) target_semaphore(%arg11 : memref<!tpu.dma_semaphore, #tpu.memory_space<semaphore_mem>>)
      %dma_wait3A_337 = arith.constant 0 : i32
      %dma_wait3A_338 = tpu.memref_slice %arg4[%mul3A_332, %dma_wait3A_337] : memref<1638400x32xf32, #tpu.memory_space<hbm>> -> memref<512x32xf32, #tpu.memory_space<hbm>>
      %dma_wait3A_339 = arith.constant 0 : i32
      %dma_wait3A_340 = tpu.memref_slice %arg4[%mul3A_332, %dma_wait3A_339] : memref<1638400x32xf32, #tpu.memory_space<hbm>> -> memref<512x32xf32, #tpu.memory_space<hbm>>
      tpu.wait_dma2 semaphore(%arg11 : memref<!tpu.dma_semaphore, #tpu.memory_space<semaphore_mem>>) src(%arg7 : memref<512x32xf32, #tpu.memory_space<vmem>>) dst(%dma_wait3A_340 : memref<512x32xf32, #tpu.memory_space<hbm>>)
      %add3A_341 = arith.constant 4 : i32
      %add3A_342 = arith.addi %add3A_321, %add3A_341 : i32
      %mul3A_343 = arith.constant 4 : i32
      %mul3A_344 = arith.muli %add3A_342, %mul3A_343 : i32
      %add3A_345 = arith.constant 0 : i32
      %add3A_346 = arith.addi %mul3A_344, %add3A_345 : i32
      %dma_start3A_347 = arith.constant 0 : i32
      %dma_start3A_348 = arith.constant 0 : i32
      %dma_start3A_349 = tpu.memref_slice %arg7[%dma_start3A_347, %dma_start3A_348] : memref<512x32xf32, #tpu.memory_space<vmem>> -> memref<128x32xf32, #tpu.memory_space<vmem>>
      %dma_start3A_350 = arith.constant 0 : i32
      %dma_start3A_351 = tpu.memref_slice %arg5[%add3A_346, %dma_start3A_350] : memref<400x128xi32, #tpu.memory_space<vmem>> -> memref<1x128xi32, #tpu.memory_space<vmem>>
      %dma_start3A_352 = tpu.memref_squeeze %dma_start3A_351 : memref<1x128xi32, #tpu.memory_space<vmem>> -> memref<128xi32, #tpu.memory_space<vmem>>
      %dma_start3A_353 = arith.constant 0 : i32
      %dma_start3A_354 = arith.constant 0 : i32
      %dma_start3A_355 = tpu.memref_slice %arg3[%dma_start3A_353, %dma_start3A_354] : memref<4000000x32xf32, #tpu.memory_space<hbm>> -> memref<4000000x32xf32, #tpu.memory_space<hbm>>
      tpu.enqueue_indirect_dma source(%dma_start3A_355 : memref<4000000x32xf32, #tpu.memory_space<hbm>>) target(%dma_start3A_349 : memref<128x32xf32, #tpu.memory_space<vmem>>) offsets(%dma_start3A_352 : memref<128xi32, #tpu.memory_space<vmem>>) semaphore(%arg11 : memref<!tpu.dma_semaphore, #tpu.memory_space<semaphore_mem>>)
      %mul3A_356 = arith.constant 4 : i32
      %mul3A_357 = arith.muli %add3A_342, %mul3A_356 : i32
      %add3A_358 = arith.constant 1 : i32
      %add3A_359 = arith.addi %mul3A_357, %add3A_358 : i32
      %dma_start3A_360 = arith.constant 128 : i32
      %dma_start3A_361 = arith.constant 0 : i32
      %dma_start3A_362 = tpu.memref_slice %arg7[%dma_start3A_360, %dma_start3A_361] : memref<512x32xf32, #tpu.memory_space<vmem>> -> memref<128x32xf32, #tpu.memory_space<vmem>>
      %dma_start3A_363 = arith.constant 0 : i32
      %dma_start3A_364 = tpu.memref_slice %arg5[%add3A_359, %dma_start3A_363] : memref<400x128xi32, #tpu.memory_space<vmem>> -> memref<1x128xi32, #tpu.memory_space<vmem>>
      %dma_start3A_365 = tpu.memref_squeeze %dma_start3A_364 : memref<1x128xi32, #tpu.memory_space<vmem>> -> memref<128xi32, #tpu.memory_space<vmem>>
      %dma_start3A_366 = arith.constant 0 : i32
      %dma_start3A_367 = arith.constant 0 : i32
      %dma_start3A_368 = tpu.memref_slice %arg3[%dma_start3A_366, %dma_start3A_367] : memref<4000000x32xf32, #tpu.memory_space<hbm>> -> memref<4000000x32xf32, #tpu.memory_space<hbm>>
      tpu.enqueue_indirect_dma source(%dma_start3A_368 : memref<4000000x32xf32, #tpu.memory_space<hbm>>) target(%dma_start3A_362 : memref<128x32xf32, #tpu.memory_space<vmem>>) offsets(%dma_start3A_365 : memref<128xi32, #tpu.memory_space<vmem>>) semaphore(%arg11 : memref<!tpu.dma_semaphore, #tpu.memory_space<semaphore_mem>>)
      %mul3A_369 = arith.constant 4 : i32
      %mul3A_370 = arith.muli %add3A_342, %mul3A_369 : i32
      %add3A_371 = arith.constant 2 : i32
      %add3A_372 = arith.addi %mul3A_370, %add3A_371 : i32
      %dma_start3A_373 = arith.constant 256 : i32
      %dma_start3A_374 = arith.constant 0 : i32
      %dma_start3A_375 = tpu.memref_slice %arg7[%dma_start3A_373, %dma_start3A_374] : memref<512x32xf32, #tpu.memory_space<vmem>> -> memref<128x32xf32, #tpu.memory_space<vmem>>
      %dma_start3A_376 = arith.constant 0 : i32
      %dma_start3A_377 = tpu.memref_slice %arg5[%add3A_372, %dma_start3A_376] : memref<400x128xi32, #tpu.memory_space<vmem>> -> memref<1x128xi32, #tpu.memory_space<vmem>>
      %dma_start3A_378 = tpu.memref_squeeze %dma_start3A_377 : memref<1x128xi32, #tpu.memory_space<vmem>> -> memref<128xi32, #tpu.memory_space<vmem>>
      %dma_start3A_379 = arith.constant 0 : i32
      %dma_start3A_380 = arith.constant 0 : i32
      %dma_start3A_381 = tpu.memref_slice %arg3[%dma_start3A_379, %dma_start3A_380] : memref<4000000x32xf32, #tpu.memory_space<hbm>> -> memref<4000000x32xf32, #tpu.memory_space<hbm>>
      tpu.enqueue_indirect_dma source(%dma_start3A_381 : memref<4000000x32xf32, #tpu.memory_space<hbm>>) target(%dma_start3A_375 : memref<128x32xf32, #tpu.memory_space<vmem>>) offsets(%dma_start3A_378 : memref<128xi32, #tpu.memory_space<vmem>>) semaphore(%arg11 : memref<!tpu.dma_semaphore, #tpu.memory_space<semaphore_mem>>)
      %mul3A_382 = arith.constant 4 : i32
      %mul3A_383 = arith.muli %add3A_342, %mul3A_382 : i32
      %add3A_384 = arith.constant 3 : i32
      %add3A_385 = arith.addi %mul3A_383, %add3A_384 : i32
      %dma_start3A_386 = arith.constant 384 : i32
      %dma_start3A_387 = arith.constant 0 : i32
      %dma_start3A_388 = tpu.memref_slice %arg7[%dma_start3A_386, %dma_start3A_387] : memref<512x32xf32, #tpu.memory_space<vmem>> -> memref<128x32xf32, #tpu.memory_space<vmem>>
      %dma_start3A_389 = arith.constant 0 : i32
      %dma_start3A_390 = tpu.memref_slice %arg5[%add3A_385, %dma_start3A_389] : memref<400x128xi32, #tpu.memory_space<vmem>> -> memref<1x128xi32, #tpu.memory_space<vmem>>
      %dma_start3A_391 = tpu.memref_squeeze %dma_start3A_390 : memref<1x128xi32, #tpu.memory_space<vmem>> -> memref<128xi32, #tpu.memory_space<vmem>>
      %dma_start3A_392 = arith.constant 0 : i32
      %dma_start3A_393 = arith.constant 0 : i32
      %dma_start3A_394 = tpu.memref_slice %arg3[%dma_start3A_392, %dma_start3A_393] : memref<4000000x32xf32, #tpu.memory_space<hbm>> -> memref<4000000x32xf32, #tpu.memory_space<hbm>>
      tpu.enqueue_indirect_dma source(%dma_start3A_394 : memref<4000000x32xf32, #tpu.memory_space<hbm>>) target(%dma_start3A_388 : memref<128x32xf32, #tpu.memory_space<vmem>>) offsets(%dma_start3A_391 : memref<128xi32, #tpu.memory_space<vmem>>) semaphore(%arg11 : memref<!tpu.dma_semaphore, #tpu.memory_space<semaphore_mem>>)
      %mul3A_395 = arith.constant 4 : i32
      %mul3A_396 = arith.muli %scan3A_239, %mul3A_395 : i32
      %add3A_397 = arith.constant 2 : i32
      %add3A_398 = arith.addi %mul3A_396, %add3A_397 : i32
      %dma_wait3A_399 = arith.constant 0 : i32
      %dma_wait3A_400 = arith.constant 0 : i32
      %dma_wait3A_401 = tpu.memref_slice %arg4[%dma_wait3A_399, %dma_wait3A_400] : memref<1638400x32xf32, #tpu.memory_space<hbm>> -> memref<512x32xf32, #tpu.memory_space<hbm>>
      %dma_wait3A_402 = arith.constant 0 : i32
      %dma_wait3A_403 = arith.constant 0 : i32
      %dma_wait3A_404 = tpu.memref_slice %arg4[%dma_wait3A_402, %dma_wait3A_403] : memref<1638400x32xf32, #tpu.memory_space<hbm>> -> memref<512x32xf32, #tpu.memory_space<hbm>>
      tpu.wait_dma2 semaphore(%arg12 : memref<!tpu.dma_semaphore, #tpu.memory_space<semaphore_mem>>) src(%dma_wait3A_404 : memref<512x32xf32, #tpu.memory_space<hbm>>) dst(%arg8 : memref<512x32xf32, #tpu.memory_space<vmem>>)
      %mul3A_405 = arith.constant 4 : i32
      %mul3A_406 = arith.muli %add3A_398, %mul3A_405 : i32
      %add3A_407 = arith.addi %mul3A_2, %mul3A_406 : i32
      %mul3A_408 = arith.constant 128 : i32
      %mul3A_409 = arith.muli %add3A_407, %mul3A_408 : i32
      %dma_start3A_410 = arith.constant 0 : i32
      %dma_start3A_411 = tpu.memref_slice %arg4[%mul3A_409, %dma_start3A_410] : memref<1638400x32xf32, #tpu.memory_space<hbm>> -> memref<512x32xf32, #tpu.memory_space<hbm>>
      %dma_start3A_412 = arith.constant 0 : i32
      %dma_start3A_413 = tpu.memref_slice %arg4[%mul3A_409, %dma_start3A_412] : memref<1638400x32xf32, #tpu.memory_space<hbm>> -> memref<512x32xf32, #tpu.memory_space<hbm>>
      tpu.enqueue_dma source(%arg8 : memref<512x32xf32, #tpu.memory_space<vmem>>) target(%dma_start3A_413 : memref<512x32xf32, #tpu.memory_space<hbm>>) target_semaphore(%arg12 : memref<!tpu.dma_semaphore, #tpu.memory_space<semaphore_mem>>)
      %dma_wait3A_414 = arith.constant 0 : i32
      %dma_wait3A_415 = tpu.memref_slice %arg4[%mul3A_409, %dma_wait3A_414] : memref<1638400x32xf32, #tpu.memory_space<hbm>> -> memref<512x32xf32, #tpu.memory_space<hbm>>
      %dma_wait3A_416 = arith.constant 0 : i32
      %dma_wait3A_417 = tpu.memref_slice %arg4[%mul3A_409, %dma_wait3A_416] : memref<1638400x32xf32, #tpu.memory_space<hbm>> -> memref<512x32xf32, #tpu.memory_space<hbm>>
      tpu.wait_dma2 semaphore(%arg12 : memref<!tpu.dma_semaphore, #tpu.memory_space<semaphore_mem>>) src(%arg8 : memref<512x32xf32, #tpu.memory_space<vmem>>) dst(%dma_wait3A_417 : memref<512x32xf32, #tpu.memory_space<hbm>>)
      %add3A_418 = arith.constant 4 : i32
      %add3A_419 = arith.addi %add3A_398, %add3A_418 : i32
      %mul3A_420 = arith.constant 4 : i32
      %mul3A_421 = arith.muli %add3A_419, %mul3A_420 : i32
      %add3A_422 = arith.constant 0 : i32
      %add3A_423 = arith.addi %mul3A_421, %add3A_422 : i32
      %dma_start3A_424 = arith.constant 0 : i32
      %dma_start3A_425 = arith.constant 0 : i32
      %dma_start3A_426 = tpu.memref_slice %arg8[%dma_start3A_424, %dma_start3A_425] : memref<512x32xf32, #tpu.memory_space<vmem>> -> memref<128x32xf32, #tpu.memory_space<vmem>>
      %dma_start3A_427 = arith.constant 0 : i32
      %dma_start3A_428 = tpu.memref_slice %arg5[%add3A_423, %dma_start3A_427] : memref<400x128xi32, #tpu.memory_space<vmem>> -> memref<1x128xi32, #tpu.memory_space<vmem>>
      %dma_start3A_429 = tpu.memref_squeeze %dma_start3A_428 : memref<1x128xi32, #tpu.memory_space<vmem>> -> memref<128xi32, #tpu.memory_space<vmem>>
      %dma_start3A_430 = arith.constant 0 : i32
      %dma_start3A_431 = arith.constant 0 : i32
      %dma_start3A_432 = tpu.memref_slice %arg3[%dma_start3A_430, %dma_start3A_431] : memref<4000000x32xf32, #tpu.memory_space<hbm>> -> memref<4000000x32xf32, #tpu.memory_space<hbm>>
      tpu.enqueue_indirect_dma source(%dma_start3A_432 : memref<4000000x32xf32, #tpu.memory_space<hbm>>) target(%dma_start3A_426 : memref<128x32xf32, #tpu.memory_space<vmem>>) offsets(%dma_start3A_429 : memref<128xi32, #tpu.memory_space<vmem>>) semaphore(%arg12 : memref<!tpu.dma_semaphore, #tpu.memory_space<semaphore_mem>>)
      %mul3A_433 = arith.constant 4 : i32
      %mul3A_434 = arith.muli %add3A_419, %mul3A_433 : i32
      %add3A_435 = arith.constant 1 : i32
      %add3A_436 = arith.addi %mul3A_434, %add3A_435 : i32
      %dma_start3A_437 = arith.constant 128 : i32
      %dma_start3A_438 = arith.constant 0 : i32
      %dma_start3A_439 = tpu.memref_slice %arg8[%dma_start3A_437, %dma_start3A_438] : memref<512x32xf32, #tpu.memory_space<vmem>> -> memref<128x32xf32, #tpu.memory_space<vmem>>
      %dma_start3A_440 = arith.constant 0 : i32
      %dma_start3A_441 = tpu.memref_slice %arg5[%add3A_436, %dma_start3A_440] : memref<400x128xi32, #tpu.memory_space<vmem>> -> memref<1x128xi32, #tpu.memory_space<vmem>>
      %dma_start3A_442 = tpu.memref_squeeze %dma_start3A_441 : memref<1x128xi32, #tpu.memory_space<vmem>> -> memref<128xi32, #tpu.memory_space<vmem>>
      %dma_start3A_443 = arith.constant 0 : i32
      %dma_start3A_444 = arith.constant 0 : i32
      %dma_start3A_445 = tpu.memref_slice %arg3[%dma_start3A_443, %dma_start3A_444] : memref<4000000x32xf32, #tpu.memory_space<hbm>> -> memref<4000000x32xf32, #tpu.memory_space<hbm>>
      tpu.enqueue_indirect_dma source(%dma_start3A_445 : memref<4000000x32xf32, #tpu.memory_space<hbm>>) target(%dma_start3A_439 : memref<128x32xf32, #tpu.memory_space<vmem>>) offsets(%dma_start3A_442 : memref<128xi32, #tpu.memory_space<vmem>>) semaphore(%arg12 : memref<!tpu.dma_semaphore, #tpu.memory_space<semaphore_mem>>)
      %mul3A_446 = arith.constant 4 : i32
      %mul3A_447 = arith.muli %add3A_419, %mul3A_446 : i32
      %add3A_448 = arith.constant 2 : i32
      %add3A_449 = arith.addi %mul3A_447, %add3A_448 : i32
      %dma_start3A_450 = arith.constant 256 : i32
      %dma_start3A_451 = arith.constant 0 : i32
      %dma_start3A_452 = tpu.memref_slice %arg8[%dma_start3A_450, %dma_start3A_451] : memref<512x32xf32, #tpu.memory_space<vmem>> -> memref<128x32xf32, #tpu.memory_space<vmem>>
      %dma_start3A_453 = arith.constant 0 : i32
      %dma_start3A_454 = tpu.memref_slice %arg5[%add3A_449, %dma_start3A_453] : memref<400x128xi32, #tpu.memory_space<vmem>> -> memref<1x128xi32, #tpu.memory_space<vmem>>
      %dma_start3A_455 = tpu.memref_squeeze %dma_start3A_454 : memref<1x128xi32, #tpu.memory_space<vmem>> -> memref<128xi32, #tpu.memory_space<vmem>>
      %dma_start3A_456 = arith.constant 0 : i32
      %dma_start3A_457 = arith.constant 0 : i32
      %dma_start3A_458 = tpu.memref_slice %arg3[%dma_start3A_456, %dma_start3A_457] : memref<4000000x32xf32, #tpu.memory_space<hbm>> -> memref<4000000x32xf32, #tpu.memory_space<hbm>>
      tpu.enqueue_indirect_dma source(%dma_start3A_458 : memref<4000000x32xf32, #tpu.memory_space<hbm>>) target(%dma_start3A_452 : memref<128x32xf32, #tpu.memory_space<vmem>>) offsets(%dma_start3A_455 : memref<128xi32, #tpu.memory_space<vmem>>) semaphore(%arg12 : memref<!tpu.dma_semaphore, #tpu.memory_space<semaphore_mem>>)
      %mul3A_459 = arith.constant 4 : i32
      %mul3A_460 = arith.muli %add3A_419, %mul3A_459 : i32
      %add3A_461 = arith.constant 3 : i32
      %add3A_462 = arith.addi %mul3A_460, %add3A_461 : i32
      %dma_start3A_463 = arith.constant 384 : i32
      %dma_start3A_464 = arith.constant 0 : i32
      %dma_start3A_465 = tpu.memref_slice %arg8[%dma_start3A_463, %dma_start3A_464] : memref<512x32xf32, #tpu.memory_space<vmem>> -> memref<128x32xf32, #tpu.memory_space<vmem>>
      %dma_start3A_466 = arith.constant 0 : i32
      %dma_start3A_467 = tpu.memref_slice %arg5[%add3A_462, %dma_start3A_466] : memref<400x128xi32, #tpu.memory_space<vmem>> -> memref<1x128xi32, #tpu.memory_space<vmem>>
      %dma_start3A_468 = tpu.memref_squeeze %dma_start3A_467 : memref<1x128xi32, #tpu.memory_space<vmem>> -> memref<128xi32, #tpu.memory_space<vmem>>
      %dma_start3A_469 = arith.constant 0 : i32
      %dma_start3A_470 = arith.constant 0 : i32
      %dma_start3A_471 = tpu.memref_slice %arg3[%dma_start3A_469, %dma_start3A_470] : memref<4000000x32xf32, #tpu.memory_space<hbm>> -> memref<4000000x32xf32, #tpu.memory_space<hbm>>
      tpu.enqueue_indirect_dma source(%dma_start3A_471 : memref<4000000x32xf32, #tpu.memory_space<hbm>>) target(%dma_start3A_465 : memref<128x32xf32, #tpu.memory_space<vmem>>) offsets(%dma_start3A_468 : memref<128xi32, #tpu.memory_space<vmem>>) semaphore(%arg12 : memref<!tpu.dma_semaphore, #tpu.memory_space<semaphore_mem>>)
      %mul3A_472 = arith.constant 4 : i32
      %mul3A_473 = arith.muli %scan3A_239, %mul3A_472 : i32
      %add3A_474 = arith.constant 3 : i32
      %add3A_475 = arith.addi %mul3A_473, %add3A_474 : i32
      %dma_wait3A_476 = arith.constant 0 : i32
      %dma_wait3A_477 = arith.constant 0 : i32
      %dma_wait3A_478 = tpu.memref_slice %arg4[%dma_wait3A_476, %dma_wait3A_477] : memref<1638400x32xf32, #tpu.memory_space<hbm>> -> memref<512x32xf32, #tpu.memory_space<hbm>>
      %dma_wait3A_479 = arith.constant 0 : i32
      %dma_wait3A_480 = arith.constant 0 : i32
      %dma_wait3A_481 = tpu.memref_slice %arg4[%dma_wait3A_479, %dma_wait3A_480] : memref<1638400x32xf32, #tpu.memory_space<hbm>> -> memref<512x32xf32, #tpu.memory_space<hbm>>
      tpu.wait_dma2 semaphore(%arg13 : memref<!tpu.dma_semaphore, #tpu.memory_space<semaphore_mem>>) src(%dma_wait3A_481 : memref<512x32xf32, #tpu.memory_space<hbm>>) dst(%arg9 : memref<512x32xf32, #tpu.memory_space<vmem>>)
      %mul3A_482 = arith.constant 4 : i32
      %mul3A_483 = arith.muli %add3A_475, %mul3A_482 : i32
      %add3A_484 = arith.addi %mul3A_2, %mul3A_483 : i32
      %mul3A_485 = arith.constant 128 : i32
      %mul3A_486 = arith.muli %add3A_484, %mul3A_485 : i32
      %dma_start3A_487 = arith.constant 0 : i32
      %dma_start3A_488 = tpu.memref_slice %arg4[%mul3A_486, %dma_start3A_487] : memref<1638400x32xf32, #tpu.memory_space<hbm>> -> memref<512x32xf32, #tpu.memory_space<hbm>>
      %dma_start3A_489 = arith.constant 0 : i32
      %dma_start3A_490 = tpu.memref_slice %arg4[%mul3A_486, %dma_start3A_489] : memref<1638400x32xf32, #tpu.memory_space<hbm>> -> memref<512x32xf32, #tpu.memory_space<hbm>>
      tpu.enqueue_dma source(%arg9 : memref<512x32xf32, #tpu.memory_space<vmem>>) target(%dma_start3A_490 : memref<512x32xf32, #tpu.memory_space<hbm>>) target_semaphore(%arg13 : memref<!tpu.dma_semaphore, #tpu.memory_space<semaphore_mem>>)
      %dma_wait3A_491 = arith.constant 0 : i32
      %dma_wait3A_492 = tpu.memref_slice %arg4[%mul3A_486, %dma_wait3A_491] : memref<1638400x32xf32, #tpu.memory_space<hbm>> -> memref<512x32xf32, #tpu.memory_space<hbm>>
      %dma_wait3A_493 = arith.constant 0 : i32
      %dma_wait3A_494 = tpu.memref_slice %arg4[%mul3A_486, %dma_wait3A_493] : memref<1638400x32xf32, #tpu.memory_space<hbm>> -> memref<512x32xf32, #tpu.memory_space<hbm>>
      tpu.wait_dma2 semaphore(%arg13 : memref<!tpu.dma_semaphore, #tpu.memory_space<semaphore_mem>>) src(%arg9 : memref<512x32xf32, #tpu.memory_space<vmem>>) dst(%dma_wait3A_494 : memref<512x32xf32, #tpu.memory_space<hbm>>)
      %add3A_495 = arith.constant 4 : i32
      %add3A_496 = arith.addi %add3A_475, %add3A_495 : i32
      %mul3A_497 = arith.constant 4 : i32
      %mul3A_498 = arith.muli %add3A_496, %mul3A_497 : i32
      %add3A_499 = arith.constant 0 : i32
      %add3A_500 = arith.addi %mul3A_498, %add3A_499 : i32
      %dma_start3A_501 = arith.constant 0 : i32
      %dma_start3A_502 = arith.constant 0 : i32
      %dma_start3A_503 = tpu.memref_slice %arg9[%dma_start3A_501, %dma_start3A_502] : memref<512x32xf32, #tpu.memory_space<vmem>> -> memref<128x32xf32, #tpu.memory_space<vmem>>
      %dma_start3A_504 = arith.constant 0 : i32
      %dma_start3A_505 = tpu.memref_slice %arg5[%add3A_500, %dma_start3A_504] : memref<400x128xi32, #tpu.memory_space<vmem>> -> memref<1x128xi32, #tpu.memory_space<vmem>>
      %dma_start3A_506 = tpu.memref_squeeze %dma_start3A_505 : memref<1x128xi32, #tpu.memory_space<vmem>> -> memref<128xi32, #tpu.memory_space<vmem>>
      %dma_start3A_507 = arith.constant 0 : i32
      %dma_start3A_508 = arith.constant 0 : i32
      %dma_start3A_509 = tpu.memref_slice %arg3[%dma_start3A_507, %dma_start3A_508] : memref<4000000x32xf32, #tpu.memory_space<hbm>> -> memref<4000000x32xf32, #tpu.memory_space<hbm>>
      tpu.enqueue_indirect_dma source(%dma_start3A_509 : memref<4000000x32xf32, #tpu.memory_space<hbm>>) target(%dma_start3A_503 : memref<128x32xf32, #tpu.memory_space<vmem>>) offsets(%dma_start3A_506 : memref<128xi32, #tpu.memory_space<vmem>>) semaphore(%arg13 : memref<!tpu.dma_semaphore, #tpu.memory_space<semaphore_mem>>)
      %mul3A_510 = arith.constant 4 : i32
      %mul3A_511 = arith.muli %add3A_496, %mul3A_510 : i32
      %add3A_512 = arith.constant 1 : i32
      %add3A_513 = arith.addi %mul3A_511, %add3A_512 : i32
      %dma_start3A_514 = arith.constant 128 : i32
      %dma_start3A_515 = arith.constant 0 : i32
      %dma_start3A_516 = tpu.memref_slice %arg9[%dma_start3A_514, %dma_start3A_515] : memref<512x32xf32, #tpu.memory_space<vmem>> -> memref<128x32xf32, #tpu.memory_space<vmem>>
      %dma_start3A_517 = arith.constant 0 : i32
      %dma_start3A_518 = tpu.memref_slice %arg5[%add3A_513, %dma_start3A_517] : memref<400x128xi32, #tpu.memory_space<vmem>> -> memref<1x128xi32, #tpu.memory_space<vmem>>
      %dma_start3A_519 = tpu.memref_squeeze %dma_start3A_518 : memref<1x128xi32, #tpu.memory_space<vmem>> -> memref<128xi32, #tpu.memory_space<vmem>>
      %dma_start3A_520 = arith.constant 0 : i32
      %dma_start3A_521 = arith.constant 0 : i32
      %dma_start3A_522 = tpu.memref_slice %arg3[%dma_start3A_520, %dma_start3A_521] : memref<4000000x32xf32, #tpu.memory_space<hbm>> -> memref<4000000x32xf32, #tpu.memory_space<hbm>>
      tpu.enqueue_indirect_dma source(%dma_start3A_522 : memref<4000000x32xf32, #tpu.memory_space<hbm>>) target(%dma_start3A_516 : memref<128x32xf32, #tpu.memory_space<vmem>>) offsets(%dma_start3A_519 : memref<128xi32, #tpu.memory_space<vmem>>) semaphore(%arg13 : memref<!tpu.dma_semaphore, #tpu.memory_space<semaphore_mem>>)
      %mul3A_523 = arith.constant 4 : i32
      %mul3A_524 = arith.muli %add3A_496, %mul3A_523 : i32
      %add3A_525 = arith.constant 2 : i32
      %add3A_526 = arith.addi %mul3A_524, %add3A_525 : i32
      %dma_start3A_527 = arith.constant 256 : i32
      %dma_start3A_528 = arith.constant 0 : i32
      %dma_start3A_529 = tpu.memref_slice %arg9[%dma_start3A_527, %dma_start3A_528] : memref<512x32xf32, #tpu.memory_space<vmem>> -> memref<128x32xf32, #tpu.memory_space<vmem>>
      %dma_start3A_530 = arith.constant 0 : i32
      %dma_start3A_531 = tpu.memref_slice %arg5[%add3A_526, %dma_start3A_530] : memref<400x128xi32, #tpu.memory_space<vmem>> -> memref<1x128xi32, #tpu.memory_space<vmem>>
      %dma_start3A_532 = tpu.memref_squeeze %dma_start3A_531 : memref<1x128xi32, #tpu.memory_space<vmem>> -> memref<128xi32, #tpu.memory_space<vmem>>
      %dma_start3A_533 = arith.constant 0 : i32
      %dma_start3A_534 = arith.constant 0 : i32
      %dma_start3A_535 = tpu.memref_slice %arg3[%dma_start3A_533, %dma_start3A_534] : memref<4000000x32xf32, #tpu.memory_space<hbm>> -> memref<4000000x32xf32, #tpu.memory_space<hbm>>
      tpu.enqueue_indirect_dma source(%dma_start3A_535 : memref<4000000x32xf32, #tpu.memory_space<hbm>>) target(%dma_start3A_529 : memref<128x32xf32, #tpu.memory_space<vmem>>) offsets(%dma_start3A_532 : memref<128xi32, #tpu.memory_space<vmem>>) semaphore(%arg13 : memref<!tpu.dma_semaphore, #tpu.memory_space<semaphore_mem>>)
      %mul3A_536 = arith.constant 4 : i32
      %mul3A_537 = arith.muli %add3A_496, %mul3A_536 : i32
      %add3A_538 = arith.constant 3 : i32
      %add3A_539 = arith.addi %mul3A_537, %add3A_538 : i32
      %dma_start3A_540 = arith.constant 384 : i32
      %dma_start3A_541 = arith.constant 0 : i32
      %dma_start3A_542 = tpu.memref_slice %arg9[%dma_start3A_540, %dma_start3A_541] : memref<512x32xf32, #tpu.memory_space<vmem>> -> memref<128x32xf32, #tpu.memory_space<vmem>>
      %dma_start3A_543 = arith.constant 0 : i32
      %dma_start3A_544 = tpu.memref_slice %arg5[%add3A_539, %dma_start3A_543] : memref<400x128xi32, #tpu.memory_space<vmem>> -> memref<1x128xi32, #tpu.memory_space<vmem>>
      %dma_start3A_545 = tpu.memref_squeeze %dma_start3A_544 : memref<1x128xi32, #tpu.memory_space<vmem>> -> memref<128xi32, #tpu.memory_space<vmem>>
      %dma_start3A_546 = arith.constant 0 : i32
      %dma_start3A_547 = arith.constant 0 : i32
      %dma_start3A_548 = tpu.memref_slice %arg3[%dma_start3A_546, %dma_start3A_547] : memref<4000000x32xf32, #tpu.memory_space<hbm>> -> memref<4000000x32xf32, #tpu.memory_space<hbm>>
      tpu.enqueue_indirect_dma source(%dma_start3A_548 : memref<4000000x32xf32, #tpu.memory_space<hbm>>) target(%dma_start3A_542 : memref<128x32xf32, #tpu.memory_space<vmem>>) offsets(%dma_start3A_545 : memref<128xi32, #tpu.memory_space<vmem>>) semaphore(%arg13 : memref<!tpu.dma_semaphore, #tpu.memory_space<semaphore_mem>>)
      %scan3A_549 = arith.constant 0 : i32
      scf.yield %scan3A_549 : i32
    }
    %scan3A_167 = arith.constant 24 : i32
    %dma_wait3A = arith.constant 0 : i32
    %dma_wait3A_168 = arith.constant 0 : i32
    %dma_wait3A_169 = tpu.memref_slice %arg4[%dma_wait3A, %dma_wait3A_168] : memref<1638400x32xf32, #tpu.memory_space<hbm>> -> memref<512x32xf32, #tpu.memory_space<hbm>>
    %dma_wait3A_170 = arith.constant 0 : i32
    %dma_wait3A_171 = arith.constant 0 : i32
    %dma_wait3A_172 = tpu.memref_slice %arg4[%dma_wait3A_170, %dma_wait3A_171] : memref<1638400x32xf32, #tpu.memory_space<hbm>> -> memref<512x32xf32, #tpu.memory_space<hbm>>
    tpu.wait_dma2 semaphore(%arg10 : memref<!tpu.dma_semaphore, #tpu.memory_space<semaphore_mem>>) src(%dma_wait3A_172 : memref<512x32xf32, #tpu.memory_space<hbm>>) dst(%arg6 : memref<512x32xf32, #tpu.memory_space<vmem>>)
    %add3A_173 = arith.constant 384 : i32
    %add3A_174 = arith.addi %mul3A_2, %add3A_173 : i32
    %mul3A_175 = arith.constant 128 : i32
    %mul3A_176 = arith.muli %add3A_174, %mul3A_175 : i32
    %dma_start3A_177 = arith.constant 0 : i32
    %dma_start3A_178 = tpu.memref_slice %arg4[%mul3A_176, %dma_start3A_177] : memref<1638400x32xf32, #tpu.memory_space<hbm>> -> memref<512x32xf32, #tpu.memory_space<hbm>>
    %dma_start3A_179 = arith.constant 0 : i32
    %dma_start3A_180 = tpu.memref_slice %arg4[%mul3A_176, %dma_start3A_179] : memref<1638400x32xf32, #tpu.memory_space<hbm>> -> memref<512x32xf32, #tpu.memory_space<hbm>>
    tpu.enqueue_dma source(%arg6 : memref<512x32xf32, #tpu.memory_space<vmem>>) target(%dma_start3A_180 : memref<512x32xf32, #tpu.memory_space<hbm>>) target_semaphore(%arg10 : memref<!tpu.dma_semaphore, #tpu.memory_space<semaphore_mem>>)
    %dma_wait3A_181 = arith.constant 0 : i32
    %dma_wait3A_182 = tpu.memref_slice %arg4[%mul3A_176, %dma_wait3A_181] : memref<1638400x32xf32, #tpu.memory_space<hbm>> -> memref<512x32xf32, #tpu.memory_space<hbm>>
    %dma_wait3A_183 = arith.constant 0 : i32
    %dma_wait3A_184 = tpu.memref_slice %arg4[%mul3A_176, %dma_wait3A_183] : memref<1638400x32xf32, #tpu.memory_space<hbm>> -> memref<512x32xf32, #tpu.memory_space<hbm>>
    tpu.wait_dma2 semaphore(%arg10 : memref<!tpu.dma_semaphore, #tpu.memory_space<semaphore_mem>>) src(%arg6 : memref<512x32xf32, #tpu.memory_space<vmem>>) dst(%dma_wait3A_184 : memref<512x32xf32, #tpu.memory_space<hbm>>)
    %dma_wait3A_185 = arith.constant 0 : i32
    %dma_wait3A_186 = arith.constant 0 : i32
    %dma_wait3A_187 = tpu.memref_slice %arg4[%dma_wait3A_185, %dma_wait3A_186] : memref<1638400x32xf32, #tpu.memory_space<hbm>> -> memref<512x32xf32, #tpu.memory_space<hbm>>
    %dma_wait3A_188 = arith.constant 0 : i32
    %dma_wait3A_189 = arith.constant 0 : i32
    %dma_wait3A_190 = tpu.memref_slice %arg4[%dma_wait3A_188, %dma_wait3A_189] : memref<1638400x32xf32, #tpu.memory_space<hbm>> -> memref<512x32xf32, #tpu.memory_space<hbm>>
    tpu.wait_dma2 semaphore(%arg11 : memref<!tpu.dma_semaphore, #tpu.memory_space<semaphore_mem>>) src(%dma_wait3A_190 : memref<512x32xf32, #tpu.memory_space<hbm>>) dst(%arg7 : memref<512x32xf32, #tpu.memory_space<vmem>>)
    %add3A_191 = arith.constant 388 : i32
    %add3A_192 = arith.addi %mul3A_2, %add3A_191 : i32
    %mul3A_193 = arith.constant 128 : i32
    %mul3A_194 = arith.muli %add3A_192, %mul3A_193 : i32
    %dma_start3A_195 = arith.constant 0 : i32
    %dma_start3A_196 = tpu.memref_slice %arg4[%mul3A_194, %dma_start3A_195] : memref<1638400x32xf32, #tpu.memory_space<hbm>> -> memref<512x32xf32, #tpu.memory_space<hbm>>
    %dma_start3A_197 = arith.constant 0 : i32
    %dma_start3A_198 = tpu.memref_slice %arg4[%mul3A_194, %dma_start3A_197] : memref<1638400x32xf32, #tpu.memory_space<hbm>> -> memref<512x32xf32, #tpu.memory_space<hbm>>
    tpu.enqueue_dma source(%arg7 : memref<512x32xf32, #tpu.memory_space<vmem>>) target(%dma_start3A_198 : memref<512x32xf32, #tpu.memory_space<hbm>>) target_semaphore(%arg11 : memref<!tpu.dma_semaphore, #tpu.memory_space<semaphore_mem>>)
    %dma_wait3A_199 = arith.constant 0 : i32
    %dma_wait3A_200 = tpu.memref_slice %arg4[%mul3A_194, %dma_wait3A_199] : memref<1638400x32xf32, #tpu.memory_space<hbm>> -> memref<512x32xf32, #tpu.memory_space<hbm>>
    %dma_wait3A_201 = arith.constant 0 : i32
    %dma_wait3A_202 = tpu.memref_slice %arg4[%mul3A_194, %dma_wait3A_201] : memref<1638400x32xf32, #tpu.memory_space<hbm>> -> memref<512x32xf32, #tpu.memory_space<hbm>>
    tpu.wait_dma2 semaphore(%arg11 : memref<!tpu.dma_semaphore, #tpu.memory_space<semaphore_mem>>) src(%arg7 : memref<512x32xf32, #tpu.memory_space<vmem>>) dst(%dma_wait3A_202 : memref<512x32xf32, #tpu.memory_space<hbm>>)
    %dma_wait3A_203 = arith.constant 0 : i32
    %dma_wait3A_204 = arith.constant 0 : i32
    %dma_wait3A_205 = tpu.memref_slice %arg4[%dma_wait3A_203, %dma_wait3A_204] : memref<1638400x32xf32, #tpu.memory_space<hbm>> -> memref<512x32xf32, #tpu.memory_space<hbm>>
    %dma_wait3A_206 = arith.constant 0 : i32
    %dma_wait3A_207 = arith.constant 0 : i32
    %dma_wait3A_208 = tpu.memref_slice %arg4[%dma_wait3A_206, %dma_wait3A_207] : memref<1638400x32xf32, #tpu.memory_space<hbm>> -> memref<512x32xf32, #tpu.memory_space<hbm>>
    tpu.wait_dma2 semaphore(%arg12 : memref<!tpu.dma_semaphore, #tpu.memory_space<semaphore_mem>>) src(%dma_wait3A_208 : memref<512x32xf32, #tpu.memory_space<hbm>>) dst(%arg8 : memref<512x32xf32, #tpu.memory_space<vmem>>)
    %add3A_209 = arith.constant 392 : i32
    %add3A_210 = arith.addi %mul3A_2, %add3A_209 : i32
    %mul3A_211 = arith.constant 128 : i32
    %mul3A_212 = arith.muli %add3A_210, %mul3A_211 : i32
    %dma_start3A_213 = arith.constant 0 : i32
    %dma_start3A_214 = tpu.memref_slice %arg4[%mul3A_212, %dma_start3A_213] : memref<1638400x32xf32, #tpu.memory_space<hbm>> -> memref<512x32xf32, #tpu.memory_space<hbm>>
    %dma_start3A_215 = arith.constant 0 : i32
    %dma_start3A_216 = tpu.memref_slice %arg4[%mul3A_212, %dma_start3A_215] : memref<1638400x32xf32, #tpu.memory_space<hbm>> -> memref<512x32xf32, #tpu.memory_space<hbm>>
    tpu.enqueue_dma source(%arg8 : memref<512x32xf32, #tpu.memory_space<vmem>>) target(%dma_start3A_216 : memref<512x32xf32, #tpu.memory_space<hbm>>) target_semaphore(%arg12 : memref<!tpu.dma_semaphore, #tpu.memory_space<semaphore_mem>>)
    %dma_wait3A_217 = arith.constant 0 : i32
    %dma_wait3A_218 = tpu.memref_slice %arg4[%mul3A_212, %dma_wait3A_217] : memref<1638400x32xf32, #tpu.memory_space<hbm>> -> memref<512x32xf32, #tpu.memory_space<hbm>>
    %dma_wait3A_219 = arith.constant 0 : i32
    %dma_wait3A_220 = tpu.memref_slice %arg4[%mul3A_212, %dma_wait3A_219] : memref<1638400x32xf32, #tpu.memory_space<hbm>> -> memref<512x32xf32, #tpu.memory_space<hbm>>
    tpu.wait_dma2 semaphore(%arg12 : memref<!tpu.dma_semaphore, #tpu.memory_space<semaphore_mem>>) src(%arg8 : memref<512x32xf32, #tpu.memory_space<vmem>>) dst(%dma_wait3A_220 : memref<512x32xf32, #tpu.memory_space<hbm>>)
    %dma_wait3A_221 = arith.constant 0 : i32
    %dma_wait3A_222 = arith.constant 0 : i32
    %dma_wait3A_223 = tpu.memref_slice %arg4[%dma_wait3A_221, %dma_wait3A_222] : memref<1638400x32xf32, #tpu.memory_space<hbm>> -> memref<512x32xf32, #tpu.memory_space<hbm>>
    %dma_wait3A_224 = arith.constant 0 : i32
    %dma_wait3A_225 = arith.constant 0 : i32
    %dma_wait3A_226 = tpu.memref_slice %arg4[%dma_wait3A_224, %dma_wait3A_225] : memref<1638400x32xf32, #tpu.memory_space<hbm>> -> memref<512x32xf32, #tpu.memory_space<hbm>>
    tpu.wait_dma2 semaphore(%arg13 : memref<!tpu.dma_semaphore, #tpu.memory_space<semaphore_mem>>) src(%dma_wait3A_226 : memref<512x32xf32, #tpu.memory_space<hbm>>) dst(%arg9 : memref<512x32xf32, #tpu.memory_space<vmem>>)
    %add3A_227 = arith.constant 396 : i32
    %add3A_228 = arith.addi %mul3A_2, %add3A_227 : i32
    %mul3A_229 = arith.constant 128 : i32
    %mul3A_230 = arith.muli %add3A_228, %mul3A_229 : i32
    %dma_start3A_231 = arith.constant 0 : i32
    %dma_start3A_232 = tpu.memref_slice %arg4[%mul3A_230, %dma_start3A_231] : memref<1638400x32xf32, #tpu.memory_space<hbm>> -> memref<512x32xf32, #tpu.memory_space<hbm>>
    %dma_start3A_233 = arith.constant 0 : i32
    %dma_start3A_234 = tpu.memref_slice %arg4[%mul3A_230, %dma_start3A_233] : memref<1638400x32xf32, #tpu.memory_space<hbm>> -> memref<512x32xf32, #tpu.memory_space<hbm>>
    tpu.enqueue_dma source(%arg9 : memref<512x32xf32, #tpu.memory_space<vmem>>) target(%dma_start3A_234 : memref<512x32xf32, #tpu.memory_space<hbm>>) target_semaphore(%arg13 : memref<!tpu.dma_semaphore, #tpu.memory_space<semaphore_mem>>)
    %dma_wait3A_235 = arith.constant 0 : i32
    %dma_wait3A_236 = tpu.memref_slice %arg4[%mul3A_230, %dma_wait3A_235] : memref<1638400x32xf32, #tpu.memory_space<hbm>> -> memref<512x32xf32, #tpu.memory_space<hbm>>
    %dma_wait3A_237 = arith.constant 0 : i32
    %dma_wait3A_238 = tpu.memref_slice %arg4[%mul3A_230, %dma_wait3A_237] : memref<1638400x32xf32, #tpu.memory_space<hbm>> -> memref<512x32xf32, #tpu.memory_space<hbm>>
    tpu.wait_dma2 semaphore(%arg13 : memref<!tpu.dma_semaphore, #tpu.memory_space<semaphore_mem>>) src(%arg9 : memref<512x32xf32, #tpu.memory_space<vmem>>) dst(%dma_wait3A_238 : memref<512x32xf32, #tpu.memory_space<hbm>>)
    return
  }
}

module attributes {stable_mosaic.version = 14 : i64} {
  func.func @body(%arg0: i32, %arg1: memref<64x16384xf32, #tpu.memory_space<vmem>>, %arg2: memref<16384x128xf32, #tpu.memory_space<vmem>>) attributes {dimension_semantics = [#tpu.dimension_semantics<arbitrary>], iteration_bounds = array<i64: 62>, scalar_prefetch = 0 : i64, scratch_operands = 0 : i64, tpu.core_type = #tpu.core_type<tc>, window_params = [{transform_indices = @transform_0, window_bounds = array<i64: 64, 16384>}, {transform_indices = @transform_1, window_bounds = array<i64: 16384, 128>}]} {
    %get3A = arith.constant 0 : index
    %get3A_0 = arith.constant 0 : index
    %get3A_1 = vector.load %arg1[%get3A, %get3A_0] : memref<64x16384xf32, #tpu.memory_space<vmem>>, vector<64x16384xf32>
    %transpose3A = tpu.transpose %get3A_1, [1, 0] : vector<64x16384xf32> -> vector<16384x64xf32>
    %swap3A = arith.constant 0 : index
    %swap3A_2 = arith.constant 0 : index
    %swap3A_3 = vector.load %arg2[%swap3A, %swap3A_2] : memref<16384x128xf32, #tpu.memory_space<vmem>>, vector<16384x64xf32>
    tpu.vector_store %arg2[%swap3A, %swap3A_2], %transpose3A {strides = array<i32>} : memref<16384x128xf32, #tpu.memory_space<vmem>>, vector<16384x64xf32>,
    return
  }
  func.func @transform_0(%arg0: i32) -> (i32, i32) {
    %c0_i32 = arith.constant 0 : i32
    %c0_i32_0 = arith.constant 0 : i32
    return %c0_i32, %arg0 : i32, i32
  }
  func.func @transform_1(%arg0: i32) -> (i32, i32) {
    %c0_i32 = arith.constant 0 : i32
    %c0_i32_0 = arith.constant 0 : i32
    return %arg0, %c0_i32 : i32, i32
  }
}

module attributes {stable_mosaic.version = 14 : i64} {
  func.func @body(%arg0: i32, %arg1: i32, %arg2: memref<2048x640xf32, #tpu.memory_space<vmem>>, %arg3: memref<640x2048xf32, #tpu.memory_space<vmem>>) attributes {dimension_semantics = [#tpu.dimension_semantics<arbitrary>, #tpu.dimension_semantics<arbitrary>], iteration_bounds = array<i64: 8, 5>, scalar_prefetch = 0 : i64, scratch_operands = 0 : i64, tpu.core_type = #tpu.core_type<tc>, window_params = [{transform_indices = @transform_0, window_bounds = array<i64: 2048, 640>}, {transform_indices = @transform_1, window_bounds = array<i64: 640, 2048>}]} {
    %get3A = arith.constant 0 : index
    %get3A_0 = arith.constant 0 : index
    %get3A_1 = vector.load %arg2[%get3A, %get3A_0] : memref<2048x640xf32, #tpu.memory_space<vmem>>, vector<2048x640xf32>
    %transpose3A = tpu.transpose %get3A_1, [1, 0] : vector<2048x640xf32> -> vector<640x2048xf32>
    %swap3A = arith.constant 0 : index
    %swap3A_2 = arith.constant 0 : index
    %swap3A_3 = vector.load %arg3[%swap3A, %swap3A_2] : memref<640x2048xf32, #tpu.memory_space<vmem>>, vector<640x2048xf32>
    tpu.vector_store %arg3[%swap3A, %swap3A_2], %transpose3A {strides = array<i32>} : memref<640x2048xf32, #tpu.memory_space<vmem>>, vector<640x2048xf32>,
    return
  }
  func.func @transform_0(%arg0: i32, %arg1: i32) -> (i32, i32) {
    %c0_i32 = arith.constant 0 : i32
    return %arg0, %arg1 : i32, i32
  }
  func.func @transform_1(%arg0: i32, %arg1: i32) -> (i32, i32) {
    %c0_i32 = arith.constant 0 : i32
    return %arg1, %arg0 : i32, i32
  }
}

</mosaic_0001>

<sc_bundles>
// kernel: kernel.5.cloned.1.call-start
scs
__scs_entry_jumppad:
0x0: {  	(pc) =	sbr.rel $0x88, $3  }
0x1: {  	(tag) =	ssettag $0x0;
	lr =	simm.s32 $0x1  }
0x2: {  	[smem:$0x3F9F] =	sst lr;
	_ =	strace $0xD0000000  }
0x3: {  	_ = 	snop  }
0x4: {  	_ = 	snop  }
0x5: {  	_ = 	snop  }
0x6: {  	_ = 	snop  }
0x7: {  	_ = 	snop  }
__scs_overlays_trampoline_lowered:
0x8: {  	[smem:$0x3FAE] =	sst s0  }
0x9: {  	[smem:$0x3FAF] =	sst s1  }
0xa: {  	[smem:$0x3FB0] =	sst s2  }
0xb: {  	[smem:$0x3FB1] =	sst s3  }
0xc: {  	[smem:$0x3FB2] =	sst s4  }
0xd: {  	[smem:$0x3FB3] =	sst s5  }
0xe: {  	[smem:$0x3FB4] =	sst s6  }
0xf: {  	[smem:$0x3FB5] =	sst s7  }
0x10: {  	[smem:$0x3FB6] =	sst s8  }
0x11: {  	[smem:$0x3FB7] =	sst s9;
	s0 =	simm.s32 @!p0 $0x0  }
0x12: {  	s1 =	sld [smem:$0x3F9D];
	s0 =	simm.s32 @p0 $0x1  }
0x13: {  	[smem:$0x3FB8] =	sst s0;
	s0 =	simm.s32 @!p1 $0x0  }
0x14: {  	s2 =	sld [smem:$0x3F9C];
	s0 =	simm.s32 @p1 $0x1  }
0x15: {  	[smem:$0x3FB9] =	sst s0;
	s0 =	simm.s32 @!p2 $0x0  }
0x16: {  	s3 =	sld [smem:$0x3FDB];
	s0 =	simm.s32 @p2 $0x1  }
0x17: {  	s4 =	simm.s32 $0x1BF5;
	[smem:$0x3FBB] =	sst s0  }
0x18: {  	s0 =	sld [smem:$0x3F9E];
	_ =	swait.ge [sflag:s4], $0x0  }
0x19: {  	s7 =	sld [smem:$0x3F9F]  }
0x1a: {  	s8 =	sadd.s32 $0xFFFFE003, lr  }
0x1b: {  	s9 =	sadd.s32 $0xFFFFFEF7, lr;
	s5 =	simm.s32 $0xFFFFFFFF;
	p2 =	slt.u32 s8, $0xFFFFF086  }
0x1c: {  	p1 =	slt.u32 s9, $0xF7A;
	s5 =	simm.s32 @!p2 $0x0  }
0x1d: {  	s5 =	simm.s32 @p1 $0x1;
	p0 =	seq.s32 s7, s2  }
0x1e: {  	s7 =	smul.u32 @!p0 $0xF7A, s2;
	p2 =	seq.s32 @!p0 s5, $0x0  }
0x1f: {  	s9 =	smul.u32 $0xF7A, s1;
	s8 =	simm.s32 @!p0 $0x1BF5;
	p2 =	por !p2, p0  }
0x20: {  	[sflag:s8] =	ssyncset.s32 @!p0 $0xFFFFF086;
	s6 =	sadd.s32 @!p0 s3, s7;
	s7 =	simm.s32 @!p0 $0x108  }
0x21: {  	s3 =	sadd.s32 s3, s9;
	s6 =	sadd.s32 @!p0 $0x88, s6;
	s7 =	simm.s32 @p2 $0x1082  }
0x22: {  	[simem:s7], [sflag:s8] =	dma.local @!p0 [hbm:s6], $0xF7A  }
0x23: {  	s9 =	sor.u32 $0xD0000000, s2;
	s6 =	simm.s32 $0x108;
	_ =	swait.ge @!p0 [sflag:s8], $0x0  }
0x24: {  	s3 =	sadd.s32 $0x88, s3;
	s6 =	simm.s32 @!p1 $0x1082;
	[sflag:s4] =	ssyncset.s32 $0xFFFFF086  }
0x25: {  	[simem:s6], [sflag:s4] =	dma.local [hbm:s3], $0xF7A  }
0x26: {  	[smem:$0x3F9F] =	sst s1;
	(tag) =	ssettag s2;
	_ =	strace s9  }
0x27: {  	s1 =	sld [smem:$0x3FAF]  }
0x28: {  	s2 =	sld [smem:$0x3FB0]  }
0x29: {  	s4 =	sld [smem:$0x3FB2]  }
0x2a: {  	p0 =	seq.s32 s5, $0x0;
	s5 =	sld [smem:$0x3FB3]  }
0x2b: {  	s6 =	sld [smem:$0x3FB4]  }
0x2c: {  	s7 =	sld [smem:$0x3FB5]  }
0x2d: {  	s3 =	simm.s32 $0x108;
	s8 =	sld [smem:$0x3FB6]  }
0x2e: {  	s3 =	simm.s32 @!p0 $0x1082;
	s9 =	sld [smem:$0x3FB7]  }
0x2f: {  	lr =	sadd.s32 s0, s3;
	s0 =	sld [smem:$0x3FAE]  }
0x30: {  	s3 =	sld [smem:$0x3FB1]  }
0x31: {  	[smem:$0x3FBA] =	sst s10  }
0x32: {  	s10 =	sld [smem:$0x3FB8];
	_ =	sdelay $0x3  }
0x33: {  	p0 =	seq.s32 s10, $0x1;
	s10 =	sld [smem:$0x3FBA];
	_ =	sdelay $0x3  }
0x34: {  	[smem:$0x3FBA] =	sst s10  }
0x35: {  	s10 =	sld [smem:$0x3FB9];
	_ =	sdelay $0x3  }
0x36: {  	p1 =	seq.s32 s10, $0x1;
	s10 =	sld [smem:$0x3FBA];
	_ =	sdelay $0x3  }
0x37: {  	[smem:$0x3FBA] =	sst s10  }
0x38: {  	s10 =	sld [smem:$0x3FBB]  }
0x39: {  	_ = 	snop;
	(pc) =	sbr.ind lr, $3  }
0x3a: {  	_ = 	snop  }
0x3b: {  	_ = 	snop  }
0x3c: {  	p2 =	seq.s32 s10, $0x1;
	s10 =	sld [smem:$0x3FBA]  }
0x3d: {  	_ =	shalt  }
0x3e: {  	_ =	shalt  }
0x3f: {  	_ =	shalt  }
0x40: {  	_ =	shalt  }
0x41: {  	_ =	shalt  }
0x42: {  	_ =	shalt  }
0x43: {  	_ =	shalt  }
0x44: {  	_ =	shalt  }
0x45: {  	_ =	shalt  }
0x46: {  	_ =	shalt  }
0x47: {  	_ =	shalt  }
0x48: {  	_ =	shalt  }
0x49: {  	_ =	shalt  }
0x4a: {  	_ =	shalt  }
0x4b: {  	_ =	shalt  }
0x4c: {  	_ =	shalt  }
0x4d: {  	_ =	shalt  }
0x4e: {  	_ =	shalt  }
0x4f: {  	_ =	shalt  }
0x50: {  	_ =	shalt  }
0x51: {  	_ =	shalt  }
0x52: {  	_ =	shalt  }
0x53: {  	_ =	shalt  }
0x54: {  	_ =	shalt  }
0x55: {  	_ =	shalt  }
0x56: {  	_ =	shalt  }
0x57: {  	_ =	shalt  }
0x58: {  	_ =	shalt  }
0x59: {  	_ =	shalt  }
0x5a: {  	_ =	shalt  }
0x5b: {  	_ =	shalt  }
0x5c: {  	_ =	shalt  }
0x5d: {  	_ =	shalt  }
0x5e: {  	_ =	shalt  }
0x5f: {  	_ =	shalt  }
0x60: {  	_ =	shalt  }
0x61: {  	_ =	shalt  }
0x62: {  	_ =	shalt  }
0x63: {  	_ =	shalt  }
0x64: {  	_ =	shalt  }
0x65: {  	_ =	shalt  }
0x66: {  	_ =	shalt  }
0x67: {  	_ =	shalt  }
0x68: {  	_ =	shalt  }
0x69: {  	_ =	shalt  }
0x6a: {  	_ =	shalt  }
0x6b: {  	_ =	shalt  }
0x6c: {  	_ =	shalt  }
0x6d: {  	_ =	shalt  }
0x6e: {  	_ =	shalt  }
0x6f: {  	_ =	shalt  }
0x70: {  	_ =	shalt  }
0x71: {  	_ =	shalt  }
0x72: {  	_ =	shalt  }
0x73: {  	_ =	shalt  }
0x74: {  	_ =	shalt  }
0x75: {  	_ =	shalt  }
0x76: {  	_ =	shalt  }
0x77: {  	_ =	shalt  }
0x78: {  	_ =	shalt  }
0x79: {  	_ =	shalt  }
0x7a: {  	_ =	shalt  }
0x7b: {  	_ =	shalt  }
0x7c: {  	_ =	shalt  }
0x7d: {  	_ =	shalt  }
0x7e: {  	_ =	shalt  }
0x7f: {  	_ =	shalt  }
0x80: {  	_ =	shalt  }
0x81: {  	_ =	shalt  }
0x82: {  	_ =	shalt  }
0x83: {  	_ =	shalt  }
0x84: {  	_ =	shalt  }
0x85: {  	_ =	shalt  }
0x86: {  	_ =	shalt  }
0x87: {  	_ =	shalt  }
.Lfunc_end0:
.L_simem_size_0:
called_computation_lowered:
.L_overlay_start_0:
0x88: {  	s2 =	sld [smem:$0x3FD9]  }
0x89: {  	s3 =	sld [smem:$0x3FFE];
	_ =	sdelay $0x1  }
0x8a: {  	s1 =	srdreg.scid  }
0x8b: {  	s0 =	sand.u32 $0x1, s1  }
0x8c: {  	s17 =	sshll.u32 s0, $0xA;
	s2 =	sadd.s32 s3, s2  }
0x8d: {  	s2 =	sadd.s32 s2, s17  }
0x8e: {  	[smem:$0x3FC6] =	sst s2  }
0x8f: {  	_ = 	snop  }
0x90: {  	s2 =	sld [smem:$0x3FD0];
	(tm) =	ssettm $0x1  }
0x91: {  	s18 =	sld [smem:$0x3FFB];
	_ =	sdelay $0x3  }
0x92: {  	_ =	strace s18  }
0x93: {  	s3 =	sld [smem:$0x3FFC];
	_ =	sdelay $0x3  }
0x94: {  	_ =	strace s3  }
0x95: {  	s3 =	sld [smem:$0x3FFD];
	_ =	sdelay $0x3  }
0x96: {  	_ =	strace s3  }
0x97: {  	_ =	strace $0x8FFFFFFF  }
0x98: {  	s19 =	sld [smem:$0x3FDB];
	_ =	sdelay $0x1  }
0x99: {  	s4 =	simm.s32 $_scs_section_size  }
0x9a: {  	s5 =	simm.s32 $_size__tile_overlayer_lowered;
	s6 =	simm.s32 $_tile_overlayer_lowered  }
0x9b: {  	s22 =	simm.s32 $0x1BFF;
	s21 =	sshll.u32 s6, $0x1;
	s3 =	sadd.s32 s4, s19  }
0x9c: {  	s7 =	simm.s32 $0x0;
	s20 =	sshll.u32 s5, $0x1;
	s5 =	sadd.s32 s21, s3  }
0x9d: {  	[timem:s7], [sflag:s22] =	dma.local [hbm:s5], s20  }
0x9e: {  	_ =	swait.ge [sflag:s22], s20  }
0x9f: {  	s4 =	ssub.s32 $0x0, s20;
	[sflag:s22] =	ssyncset.done $0x0  }
0xa0: {  	[sflag:s22] =	ssyncadd.s32 s4;
	_ =	sdelay $0x1  }
0xa1: {  	s23 =	simm.s32 $0x1B8B  }
0xa2: {  	_ =	swait.ge [sflag:s23], $0x1  }
0xa3: {  	[sflag:s23] =	ssyncset.done $0x0  }
0xa4: {  	s25 =	simm.s32 $0x1B8E;
	s24 =	sld [smem:$0x3FFE];
	[sflag:s23] =	ssyncadd.s32 $0xFFFFFFFF  }
0xa5: {  	s26 =	simm.s32 $execute0_lowered;
	[smem:$0x3FD2] =	sst s25  }
0xa6: {  	s5 =	sshll.u32 s26, $0x1;
	_ =	strace $0x80000046;
	[dreg:$0x1] =	wrdreg $0xFFFFFFFF  }
0xa7: {  	s28 =	simm.s32 $_size_execute0_lowered;
	s3 =	sadd.s32 s3, s5;
	[dreg:$0x0] =	wrdreg $0x0  }
0xa8: {  	s5 =	sshll.u32 s28, $0x1;
	[dreg:$0x2] =	wrdreg s3  }
0xa9: {  	[dreg:$0x3] =	wrdreg s5  }
0xaa: {  	[dreg:$0x4] =	wrdreg $0xC0  }
0xab: {  	_ =	task [dreg:s7], $0x5FFFF  }
0xac: {  	[dreg:$0x1] =	wrdreg $0xFFFFFFFF  }
0xad: {  	[dreg:$0x0] =	wrdreg $0x60  }
0xae: {  	[dreg:$0x2] =	wrdreg s24  }
0xaf: {  	[dreg:$0x3] =	wrdreg s2  }
0xb0: {  	[dreg:$0x4] =	wrdreg $0x9  }
0xb1: {  	_ =	task.clear_ibuf [dreg:s7], $0x5FFFF;
	_ =	strace $0x90000046  }
0xb2: {  	s29 =	simm.s32 $0x9;
	_ =	strace $0x80000048  }
0xb3: {  	_ =	swait.ge [sflag:s29], $0x1  }
0xb4: {  	[sflag:s29] =	ssyncadd.s32 $0xFFFFFFFF  }
0xb5: {  	_ =	strace $0x90000048  }
0xb6: {  	_ =	sfence  }
0xb7: {  	s30 =	sld [smem:$0x0];
	_ =	sdelay $0x2  }
0xb8: {  	s31 =	sshll.u32 s1, $0xD;
	s1 =	sshrl.u32 s1, $0x2  }
0xb9: {  	s3 =	sand.u32 $0x4000, s31;
	s1 =	sadd.s32 s1, s30  }
0xba: {  	s0 =	sor.u32 s3, s0;
	s1 =	sshll.u32 s1, $0x11  }
0xbb: {  	s0 =	sor.u32 s1, s0  }
0xbc: {  	s0 =	sadd.s32 $0x8F2B, s0  }
0xbd: {  	[sflag:s0] =	ssyncadd.remote.s32 $0x1  }
0xbe: {  	_ =	sfence.sel $0xFFFF  }
0xbf: {  	[dreg:$0x0] =	wrdreg $0xFFFFFFFF;
	(pc) =	sbr.abs _section_cstart, $3  }
0xc0: {  	[dreg:$0x1] =	wrdreg $0xFFFFFFFF  }
0xc1: {  	_ =	task.clear_ibuf [dreg:s7], $0x2FFFF;
	_ =	strace $0x9FFFFFFF  }
0xc2: {  	(tm) =	ssettm $0x7FFFFFFF  }
0xc3: {  	_ =	shalt  }
tec
execute0_lowered:
.L_overlay_start_1:
0x0: {  	(tag) =	ssettag $0x1  }
0x1: {  	s0 =	srdreg.scid  }
0x2: {  	s9 =	stileid.u32;
	s3 =	rddreg [dreg:$0x0]  }
0x3: {  	s5 =	rddreg [dreg:$0x1];
	s2 =	simm.s32 $0x0;
	s11 =	simm.s32 $0x80  }
0x4: {  	s12 =	simm.s32 $0xC800;
	s13 =	simm.s32 $0xD800;
	s15 =	simm.s32 $0xE800  }
0x5: {  	s17 =	simm.s32 $0xF800;
	s19 =	simm.s32 $0x10800;
	s28 =	simm.s32 $0x14800  }
0x6: {  	s30 =	simm.s32 $0x15800;
	s14 =	simm.s32 $0x17800;
	s18 =	simm.s32 $0x18800  }
0x7: {  	s31 =	simm.s32 $0x1B800;
	s16 =	simm.s32 $0x2;
	s6 =	smul.u32 $0x320000, s9  }
0x8: {  	s0 =	sand.u32 $0x1, s0;
	s1 =	sshll.u32 s9, $0x1;
	s9 =	smul.u32 $0x320, s9  }
0x9: {  	s20 =	simm.s32 $0x3;
	s29 =	simm.s32 $0x0;
	s7 =	smul.u32 $0x190000, s0  }
0xa: {  	s1 =	sor.u32 s0, s1;
	s8 =	ssub.s32 $0x2, s0;
	s0 =	smul.u32 $0x190, s0  }
0xb: {  	[smem:$0x7FF] =	sst s2;
	s4 =	smul.u32 $0x1900, s1;
	s10 =	sshrl.u32 s8, $0x1  }
0xc: {  	_ =	strace $0x80000047;
	s1 =	smul.u32 $0x190000, s1;
	s10 =	ssub.s32 s8, s10  }
0xd: {  	s21 =	sadd.s32 s7, s6;
	s0 =	sadd.s32 s0, s9;
	s4 =	sadd.s32 s4, s3  }
0xe: {  	s3 =	sadd.s32 $0xA00, s3;
	s1 =	sshrl.u32 s1, $0x3;
	s0 =	sshll.u32 s0, $0x9  }
0xf: {  	s9 =	smax.u32 s10, $0x1;
	s4 =	sadd.s32 $0xF42E00, s4;
	s1 =	sadd.s32 s5, s1  }
0x10: {  	s10 =	simm.s32 $0x5;
	[dreg:$0x7] =	wrdreg s4;
	s22 =	sadd.s32 $0x30000, s1  }
0x11: {  	s0 =	sadd.s32 s0, s5;
	s23 =	sadd.s32 $0x30800, s1;
	[dreg:$0x8] =	wrdreg s22  }
0x12: {  	s4 =	sshrl.u32 s21, $0x3;
	s25 =	sadd.s32 $0x31000, s1;
	[dreg:$0x9] =	wrdreg s23  }
0x13: {  	s24 =	sadd.s32 $0x1800, s0;
	s26 =	sadd.s32 $0x1000, s0;
	[dreg:$0xa] =	wrdreg s25  }
0x14: {  	s8 =	sadd.s32 $0x31800, s1;
	s0 =	sadd.s32 $0x800, s0;
	[dreg:$0x4] =	wrdreg s24  }
0x15: {  	s21 =	simm.s32 $0x11800;
	s1 =	simm.s32 $0x16800;
	[dreg:$0x5] =	wrdreg s26  }
0x16: {  	s4 =	sadd.s32 s4, s5;
	[dreg:$0x6] =	wrdreg s0;
	s23 =	simm.s32 $0x12800  }
0x17: {  	s25 =	simm.s32 $0x13800;
	s22 =	simm.s32 $0x19800;
	s26 =	simm.s32 $0x1A800  }
0x18: {  	s0 =	simm.s32 $0x1;
	s24 =	simm.s32 $0x4;
	[dreg:$0x3] =	wrdreg s4  }
.LBB2_1:
0x19: {  	s4 =	rddreg [dreg:$0x7]  }
0x1a: {  	[tilespmem:s2], [sflag:$0x5] =	stream.linear.gather [hbm4b:s4+s2], $0xC800, $0x38;
	[tilespmem:$0x1C800] =	vst v63  }
0x1b: {  	_ =	swait.ge [sflag:s10], $0xC800  }
0x1c: {  	[sflag:s10] =	ssyncset.done $0x0  }
0x1d: {  	[sflag:s10] =	ssyncadd.s32 $0xFFFF3800  }
0x1e: {  	[tilespmem:s12], [sflag:$0x1] =	stream.indirect.gather [hbm4b:s3+s11], $0x20, s2, s11, $0xb8;
	[tilespmem:$0x1C800] =	vst v63  }
0x1f: {  	_ = 	snop  }
0x20: {  	[tilespmem:s13], [sflag:$0x1] =	stream.indirect.gather [hbm4b:s3+s11], $0x20, s11, s11, $0xb8;
	[tilespmem:$0x1C800] =	vst v63  }
0x21: {  	s5 =	simm.s32 $0x100  }
0x22: {  	[tilespmem:s15], [sflag:$0x1] =	stream.indirect.gather [hbm4b:s3+s11], $0x20, s5, s11, $0xb8;
	[tilespmem:$0x1C800] =	vst v63  }
0x23: {  	s6 =	simm.s32 $0x180  }
0x24: {  	[tilespmem:s17], [sflag:$0x1] =	stream.indirect.gather [hbm4b:s3+s11], $0x20, s6, s11, $0xb8;
	[tilespmem:$0x1C800] =	vst v63  }
0x25: {  	s7 =	simm.s32 $0x200  }
0x26: {  	[tilespmem:s19], [sflag:$0x2] =	stream.indirect.gather [hbm4b:s3+s11], $0x20, s7, s11, $0xb8;
	[tilespmem:$0x1C800] =	vst v63  }
0x27: {  	s5 =	simm.s32 $0x280  }
0x28: {  	[tilespmem:s21], [sflag:$0x2] =	stream.indirect.gather [hbm4b:s3+s11], $0x20, s5, s11, $0xb8;
	[tilespmem:$0x1C800] =	vst v63  }
0x29: {  	s6 =	simm.s32 $0x300  }
0x2a: {  	[tilespmem:s23], [sflag:$0x2] =	stream.indirect.gather [hbm4b:s3+s11], $0x20, s6, s11, $0xb8;
	[tilespmem:$0x1C800] =	vst v63  }
0x2b: {  	s7 =	simm.s32 $0x380  }
0x2c: {  	[tilespmem:s25], [sflag:$0x2] =	stream.indirect.gather [hbm4b:s3+s11], $0x20, s7, s11, $0xb8;
	[tilespmem:$0x1C800] =	vst v63  }
0x2d: {  	s5 =	simm.s32 $0x400  }
0x2e: {  	[tilespmem:s28], [sflag:$0x3] =	stream.indirect.gather [hbm4b:s3+s11], $0x20, s5, s11, $0xb8;
	[tilespmem:$0x1C800] =	vst v63  }
0x2f: {  	s6 =	simm.s32 $0x480  }
0x30: {  	[tilespmem:s30], [sflag:$0x3] =	stream.indirect.gather [hbm4b:s3+s11], $0x20, s6, s11, $0xb8;
	[tilespmem:$0x1C800] =	vst v63  }
0x31: {  	s7 =	simm.s32 $0x500  }
0x32: {  	[tilespmem:s1], [sflag:$0x3] =	stream.indirect.gather [hbm4b:s3+s11], $0x20, s7, s11, $0xb8;
	[tilespmem:$0x1C800] =	vst v63  }
0x33: {  	s5 =	simm.s32 $0x580  }
0x34: {  	[tilespmem:s14], [sflag:$0x3] =	stream.indirect.gather [hbm4b:s3+s11], $0x20, s5, s11, $0xb8;
	[tilespmem:$0x1C800] =	vst v63  }
0x35: {  	s6 =	simm.s32 $0x600  }
0x36: {  	[tilespmem:s18], [sflag:$0x4] =	stream.indirect.gather [hbm4b:s3+s11], $0x20, s6, s11, $0xb8;
	[tilespmem:$0x1C800] =	vst v63  }
0x37: {  	s7 =	simm.s32 $0x680  }
0x38: {  	[tilespmem:s22], [sflag:$0x4] =	stream.indirect.gather [hbm4b:s3+s11], $0x20, s7, s11, $0xb8;
	[tilespmem:$0x1C800] =	vst v63  }
0x39: {  	s5 =	simm.s32 $0x700  }
0x3a: {  	[tilespmem:s26], [sflag:$0x4] =	stream.indirect.gather [hbm4b:s3+s11], $0x20, s5, s11, $0xb8;
	[tilespmem:$0x1C800] =	vst v63  }
0x3b: {  	s6 =	simm.s32 $0x780  }
0x3c: {  	[tilespmem:s31], [sflag:$0x4] =	stream.indirect.gather [hbm4b:s3+s11], $0x20, s6, s11, $0xb8;
	[tilespmem:$0x1C800] =	vst v63  }
0x3d: {  	_ =	swait.ge [sflag:s0], $0x4000  }
0x3e: {  	s7 =	rddreg [dreg:$0x3];
	[sflag:s0] =	ssyncset.done $0x0  }
0x3f: {  	[sflag:s0] =	ssyncadd.s32 $0xFFFFC000;
	s4 =	sadd.s32 $0x0, s7  }
0x40: {  	[hbm4b:s4+s2] =	stream.linear.scatter [tilespmem:s12], [sflag:$0x1], $0x4000, $0x38;
	[tilespmem:$0x1C800] =	vst v63  }
0x41: {  	_ =	swait.ge [sflag:s0], $0x4000  }
0x42: {  	[sflag:s0] =	ssyncset.done $0x0  }
0x43: {  	s5 =	simm.s32 $0x800;
	[sflag:s0] =	ssyncadd.s32 $0xFFFFC000  }
0x44: {  	[tilespmem:s12], [sflag:$0x1] =	stream.indirect.gather [hbm4b:s3+s11], $0x20, s5, s11, $0xb8;
	[tilespmem:$0x1C800] =	vst v63  }
0x45: {  	s6 =	simm.s32 $0x880  }
0x46: {  	[tilespmem:s13], [sflag:$0x1] =	stream.indirect.gather [hbm4b:s3+s11], $0x20, s6, s11, $0xb8;
	[tilespmem:$0x1C800] =	vst v63  }
0x47: {  	s7 =	simm.s32 $0x900  }
0x48: {  	[tilespmem:s15], [sflag:$0x1] =	stream.indirect.gather [hbm4b:s3+s11], $0x20, s7, s11, $0xb8;
	[tilespmem:$0x1C800] =	vst v63  }
0x49: {  	s5 =	simm.s32 $0x980  }
0x4a: {  	[tilespmem:s17], [sflag:$0x1] =	stream.indirect.gather [hbm4b:s3+s11], $0x20, s5, s11, $0xb8;
	[tilespmem:$0x1C800] =	vst v63  }
0x4b: {  	_ =	swait.ge [sflag:s16], $0x4000  }
0x4c: {  	s6 =	rddreg [dreg:$0x6];
	[sflag:s16] =	ssyncset.done $0x0  }
0x4d: {  	[sflag:s16] =	ssyncadd.s32 $0xFFFFC000;
	s4 =	sadd.s32 $0x0, s6  }
0x4e: {  	[hbm4b:s4+s2] =	stream.linear.scatter [tilespmem:s19], [sflag:$0x2], $0x4000, $0x38;
	[tilespmem:$0x1C800] =	vst v63  }
0x4f: {  	_ =	swait.ge [sflag:s16], $0x4000  }
0x50: {  	[sflag:s16] =	ssyncset.done $0x0  }
0x51: {  	s7 =	simm.s32 $0xA00;
	[sflag:s16] =	ssyncadd.s32 $0xFFFFC000  }
0x52: {  	[tilespmem:s19], [sflag:$0x2] =	stream.indirect.gather [hbm4b:s3+s11], $0x20, s7, s11, $0xb8;
	[tilespmem:$0x1C800] =	vst v63  }
0x53: {  	s5 =	simm.s32 $0xA80  }
0x54: {  	[tilespmem:s21], [sflag:$0x2] =	stream.indirect.gather [hbm4b:s3+s11], $0x20, s5, s11, $0xb8;
	[tilespmem:$0x1C800] =	vst v63  }
0x55: {  	s6 =	simm.s32 $0xB00  }
0x56: {  	[tilespmem:s23], [sflag:$0x2] =	stream.indirect.gather [hbm4b:s3+s11], $0x20, s6, s11, $0xb8;
	[tilespmem:$0x1C800] =	vst v63  }
0x57: {  	s7 =	simm.s32 $0xB80  }
0x58: {  	[tilespmem:s25], [sflag:$0x2] =	stream.indirect.gather [hbm4b:s3+s11], $0x20, s7, s11, $0xb8;
	[tilespmem:$0x1C800] =	vst v63  }
0x59: {  	_ =	swait.ge [sflag:s20], $0x4000  }
0x5a: {  	s5 =	rddreg [dreg:$0x5];
	[sflag:s20] =	ssyncset.done $0x0  }
0x5b: {  	[sflag:s20] =	ssyncadd.s32 $0xFFFFC000;
	s4 =	sadd.s32 $0x0, s5  }
0x5c: {  	[hbm4b:s4+s2] =	stream.linear.scatter [tilespmem:s28], [sflag:$0x3], $0x4000, $0x38;
	[tilespmem:$0x1C800] =	vst v63  }
0x5d: {  	_ =	swait.ge [sflag:s20], $0x4000  }
0x5e: {  	[sflag:s20] =	ssyncset.done $0x0  }
0x5f: {  	s6 =	simm.s32 $0xC00;
	[sflag:s20] =	ssyncadd.s32 $0xFFFFC000  }
0x60: {  	[tilespmem:s28], [sflag:$0x3] =	stream.indirect.gather [hbm4b:s3+s11], $0x20, s6, s11, $0xb8;
	[tilespmem:$0x1C800] =	vst v63  }
0x61: {  	s7 =	simm.s32 $0xC80  }
0x62: {  	[tilespmem:s30], [sflag:$0x3] =	stream.indirect.gather [hbm4b:s3+s11], $0x20, s7, s11, $0xb8;
	[tilespmem:$0x1C800] =	vst v63  }
0x63: {  	s5 =	simm.s32 $0xD00  }
0x64: {  	[tilespmem:s1], [sflag:$0x3] =	stream.indirect.gather [hbm4b:s3+s11], $0x20, s5, s11, $0xb8;
	[tilespmem:$0x1C800] =	vst v63  }
0x65: {  	s6 =	simm.s32 $0xD80  }
0x66: {  	[tilespmem:s14], [sflag:$0x3] =	stream.indirect.gather [hbm4b:s3+s11], $0x20, s6, s11, $0xb8;
	[tilespmem:$0x1C800] =	vst v63  }
0x67: {  	_ =	swait.ge [sflag:s24], $0x4000  }
0x68: {  	s7 =	rddreg [dreg:$0x4];
	[sflag:s24] =	ssyncset.done $0x0  }
0x69: {  	[sflag:s24] =	ssyncadd.s32 $0xFFFFC000;
	s4 =	sadd.s32 $0x0, s7  }
0x6a: {  	[hbm4b:s4+s2] =	stream.linear.scatter [tilespmem:s18], [sflag:$0x4], $0x4000, $0x38;
	[tilespmem:$0x1C800] =	vst v63  }
0x6b: {  	_ =	swait.ge [sflag:s24], $0x4000  }
0x6c: {  	[sflag:s24] =	ssyncset.done $0x0  }
0x6d: {  	s5 =	simm.s32 $0xE00;
	[sflag:s24] =	ssyncadd.s32 $0xFFFFC000  }
0x6e: {  	[tilespmem:s18], [sflag:$0x4] =	stream.indirect.gather [hbm4b:s3+s11], $0x20, s5, s11, $0xb8;
	[tilespmem:$0x1C800] =	vst v63  }
0x6f: {  	s6 =	simm.s32 $0xE80  }
0x70: {  	[tilespmem:s22], [sflag:$0x4] =	stream.indirect.gather [hbm4b:s3+s11], $0x20, s6, s11, $0xb8;
	[tilespmem:$0x1C800] =	vst v63  }
0x71: {  	s7 =	simm.s32 $0xF00;
	s4 =	simm.s32 $0x2000;
	s5 =	simm.s32 $0xF80  }
0x72: {  	[tilespmem:s26], [sflag:$0x4] =	stream.indirect.gather [hbm4b:s3+s11], $0x20, s7, s11, $0xb8;
	[tilespmem:$0x1C800] =	vst v63  }
.LBB2_2:
0x73: {  	[tilespmem:s31], [sflag:$0x4] =	stream.indirect.gather [hbm4b:s3+s11], $0x20, s5, s11, $0xb8;
	[tilespmem:$0x1C800] =	vst v63  }
0x74: {  	_ =	swait.ge [sflag:s0], $0x4000  }
0x75: {  	s6 =	smov.u32 s4;
	s7 =	rddreg [dreg:$0x3];
	[sflag:s0] =	ssyncset.done $0x0  }
0x76: {  	[sflag:s0] =	ssyncadd.s32 $0xFFFFC000;
	s5 =	sadd.s32 s6, s7  }
0x77: {  	[hbm4b:s5+s2] =	stream.linear.scatter [tilespmem:s12], [sflag:$0x1], $0x4000, $0x38;
	[tilespmem:$0x1C800] =	vst v63  }
0x78: {  	_ =	swait.ge [sflag:s0], $0x4000  }
0x79: {  	s5 =	sshra.s32 s6, $0x2;
	[sflag:s0] =	ssyncset.done $0x0  }
0x7a: {  	s7 =	sadd.s32 $0x800, s5;
	[sflag:s0] =	ssyncadd.s32 $0xFFFFC000  }
0x7b: {  	[tilespmem:s12], [sflag:$0x1] =	stream.indirect.gather [hbm4b:s3+s11], $0x20, s7, s11, $0xb8;
	[tilespmem:$0x1C800] =	vst v63  }
0x7c: {  	s7 =	sadd.s32 $0x880, s5  }
0x7d: {  	[tilespmem:s13], [sflag:$0x1] =	stream.indirect.gather [hbm4b:s3+s11], $0x20, s7, s11, $0xb8;
	[tilespmem:$0x1C800] =	vst v63  }
0x7e: {  	s7 =	sadd.s32 $0x900, s5  }
0x7f: {  	[tilespmem:s15], [sflag:$0x1] =	stream.indirect.gather [hbm4b:s3+s11], $0x20, s7, s11, $0xb8;
	[tilespmem:$0x1C800] =	vst v63  }
0x80: {  	s7 =	sadd.s32 $0x980, s5  }
0x81: {  	[tilespmem:s17], [sflag:$0x1] =	stream.indirect.gather [hbm4b:s3+s11], $0x20, s7, s11, $0xb8;
	[tilespmem:$0x1C800] =	vst v63  }
0x82: {  	_ =	swait.ge [sflag:s16], $0x4000  }
0x83: {  	s7 =	rddreg [dreg:$0x6];
	[sflag:s16] =	ssyncset.done $0x0  }
0x84: {  	[sflag:s16] =	ssyncadd.s32 $0xFFFFC000;
	s7 =	sadd.s32 s6, s7  }
0x85: {  	[hbm4b:s7+s2] =	stream.linear.scatter [tilespmem:s19], [sflag:$0x2], $0x4000, $0x38;
	[tilespmem:$0x1C800] =	vst v63  }
0x86: {  	_ =	swait.ge [sflag:s16], $0x4000  }
0x87: {  	[sflag:s16] =	ssyncset.done $0x0  }
0x88: {  	s7 =	sadd.s32 $0xA00, s5;
	[sflag:s16] =	ssyncadd.s32 $0xFFFFC000  }
0x89: {  	[tilespmem:s19], [sflag:$0x2] =	stream.indirect.gather [hbm4b:s3+s11], $0x20, s7, s11, $0xb8;
	[tilespmem:$0x1C800] =	vst v63  }
0x8a: {  	s7 =	sadd.s32 $0xA80, s5  }
0x8b: {  	[tilespmem:s21], [sflag:$0x2] =	stream.indirect.gather [hbm4b:s3+s11], $0x20, s7, s11, $0xb8;
	[tilespmem:$0x1C800] =	vst v63  }
0x8c: {  	s7 =	sadd.s32 $0xB00, s5  }
0x8d: {  	[tilespmem:s23], [sflag:$0x2] =	stream.indirect.gather [hbm4b:s3+s11], $0x20, s7, s11, $0xb8;
	[tilespmem:$0x1C800] =	vst v63  }
0x8e: {  	s7 =	sadd.s32 $0xB80, s5  }
0x8f: {  	[tilespmem:s25], [sflag:$0x2] =	stream.indirect.gather [hbm4b:s3+s11], $0x20, s7, s11, $0xb8;
	[tilespmem:$0x1C800] =	vst v63  }
0x90: {  	_ =	swait.ge [sflag:s20], $0x4000  }
0x91: {  	s7 =	rddreg [dreg:$0x5];
	[sflag:s20] =	ssyncset.done $0x0  }
0x92: {  	[sflag:s20] =	ssyncadd.s32 $0xFFFFC000;
	s7 =	sadd.s32 s6, s7  }
0x93: {  	[hbm4b:s7+s2] =	stream.linear.scatter [tilespmem:s28], [sflag:$0x3], $0x4000, $0x38;
	[tilespmem:$0x1C800] =	vst v63  }
0x94: {  	_ =	swait.ge [sflag:s20], $0x4000  }
0x95: {  	[sflag:s20] =	ssyncset.done $0x0  }
0x96: {  	s7 =	sadd.s32 $0xC00, s5;
	[sflag:s20] =	ssyncadd.s32 $0xFFFFC000  }
0x97: {  	[tilespmem:s28], [sflag:$0x3] =	stream.indirect.gather [hbm4b:s3+s11], $0x20, s7, s11, $0xb8;
	[tilespmem:$0x1C800] =	vst v63  }
0x98: {  	s7 =	sadd.s32 $0xC80, s5  }
0x99: {  	[tilespmem:s30], [sflag:$0x3] =	stream.indirect.gather [hbm4b:s3+s11], $0x20, s7, s11, $0xb8;
	[tilespmem:$0x1C800] =	vst v63  }
0x9a: {  	s7 =	sadd.s32 $0xD00, s5  }
0x9b: {  	[tilespmem:s1], [sflag:$0x3] =	stream.indirect.gather [hbm4b:s3+s11], $0x20, s7, s11, $0xb8;
	[tilespmem:$0x1C800] =	vst v63  }
0x9c: {  	s7 =	sadd.s32 $0xD80, s5  }
0x9d: {  	[tilespmem:s14], [sflag:$0x3] =	stream.indirect.gather [hbm4b:s3+s11], $0x20, s7, s11, $0xb8;
	[tilespmem:$0x1C800] =	vst v63  }
0x9e: {  	_ =	swait.ge [sflag:s24], $0x4000  }
0x9f: {  	s7 =	rddreg [dreg:$0x4];
	[sflag:s24] =	ssyncset.done $0x0  }
0xa0: {  	[sflag:s24] =	ssyncadd.s32 $0xFFFFC000;
	s6 =	sadd.s32 s6, s7  }
0xa1: {  	[hbm4b:s6+s2] =	stream.linear.scatter [tilespmem:s18], [sflag:$0x4], $0x4000, $0x38;
	[tilespmem:$0x1C800] =	vst v63  }
0xa2: {  	_ =	swait.ge [sflag:s24], $0x4000  }
0xa3: {  	[sflag:s24] =	ssyncset.done $0x0  }
0xa4: {  	p0 =	sne.s32 s4, $0x2E000;
	s7 =	sadd.s32 $0xE00, s5;
	[sflag:s24] =	ssyncadd.s32 $0xFFFFC000  }
0xa5: {  	[tilespmem:s18], [sflag:$0x4] =	stream.indirect.gather [hbm4b:s3+s11], $0x20, s7, s11, $0xb8;
	[tilespmem:$0x1C800] =	vst v63  }
.Ltmp0:
0xa6: {  	_ = 	snop;
	(pc) =	sbr.rel @p0 .LBB2_2-.Ltmp0, $4  }
0xa7: {  	s7 =	sadd.s32 $0xE80, s5  }
0xa8: {  	[tilespmem:s22], [sflag:$0x4] =	stream.indirect.gather [hbm4b:s3+s11], $0x20, s7, s11, $0xb8;
	[tilespmem:$0x1C800] =	vst v63  }
0xa9: {  	s4 =	sadd.s32 $0x2000, s4;
	s7 =	sadd.s32 $0xF00, s5;
	s5 =	sadd.s32 $0xF80, s5  }
0xaa: {  	[tilespmem:s26], [sflag:$0x4] =	stream.indirect.gather [hbm4b:s3+s11], $0x20, s7, s11, $0xb8;
	[tilespmem:$0x1C800] =	vst v63  }
0xab: {  	[tilespmem:s31], [sflag:$0x4] =	stream.indirect.gather [hbm4b:s3+s11], $0x20, s5, s11, $0xb8;
	[tilespmem:$0x1C800] =	vst v63  }
0xac: {  	_ =	swait.ge [sflag:s0], $0x4000  }
0xad: {  	[sflag:s0] =	ssyncset.done $0x0  }
0xae: {  	s4 =	rddreg [dreg:$0x8];
	[sflag:s0] =	ssyncadd.s32 $0xFFFFC000  }
0xaf: {  	[hbm4b:s4+s2] =	stream.linear.scatter [tilespmem:s12], [sflag:$0x1], $0x4000, $0x38;
	[tilespmem:$0x1C800] =	vst v63  }
0xb0: {  	_ =	swait.ge [sflag:s0], $0x4000  }
0xb1: {  	[sflag:s0] =	ssyncset.done $0x0  }
0xb2: {  	[sflag:s0] =	ssyncadd.s32 $0xFFFFC000  }
0xb3: {  	_ =	swait.ge [sflag:s16], $0x4000  }
0xb4: {  	[sflag:s16] =	ssyncset.done $0x0  }
0xb5: {  	s6 =	rddreg [dreg:$0x9];
	[sflag:s16] =	ssyncadd.s32 $0xFFFFC000  }
0xb6: {  	[hbm4b:s6+s2] =	stream.linear.scatter [tilespmem:s19], [sflag:$0x2], $0x4000, $0x38;
	[tilespmem:$0x1C800] =	vst v63  }
0xb7: {  	_ =	swait.ge [sflag:s16], $0x4000  }
0xb8: {  	[sflag:s16] =	ssyncset.done $0x0  }
0xb9: {  	[sflag:s16] =	ssyncadd.s32 $0xFFFFC000  }
0xba: {  	_ =	swait.ge [sflag:s20], $0x4000  }
0xbb: {  	[sflag:s20] =	ssyncset.done $0x0  }
0xbc: {  	s7 =	rddreg [dreg:$0xa];
	[sflag:s20] =	ssyncadd.s32 $0xFFFFC000  }
0xbd: {  	[hbm4b:s7+s2] =	stream.linear.scatter [tilespmem:s28], [sflag:$0x3], $0x4000, $0x38;
	[tilespmem:$0x1C800] =	vst v63  }
0xbe: {  	_ =	swait.ge [sflag:s20], $0x4000  }
0xbf: {  	[sflag:s20] =	ssyncset.done $0x0  }
0xc0: {  	[sflag:s20] =	ssyncadd.s32 $0xFFFFC000  }
0xc1: {  	s29 =	sadd.s32 $0x1, s29;
	_ =	swait.ge [sflag:s24], $0x4000  }
0xc2: {  	p0 =	sne.s32 s29, s9;
	[sflag:s24] =	ssyncset.done $0x0  }
.Ltmp1:
0xc3: {  	[sflag:s24] =	ssyncadd.s32 $0xFFFFC000;
	(pc) =	sbr.rel @p0 .LBB2_1-.Ltmp1, $4  }
0xc4: {  	[hbm4b:s8+s2] =	stream.linear.scatter [tilespmem:s18], [sflag:$0x4], $0x4000, $0x38;
	[tilespmem:$0x1C800] =	vst v63  }
0xc5: {  	_ =	swait.ge [sflag:s24], $0x4000  }
0xc6: {  	[sflag:s24] =	ssyncset.done $0x0  }
0xc7: {  	[sflag:s24] =	ssyncadd.s32 $0xFFFFC000  }
0xc8: {  	_ =	sfence.sel $0x180000  }
0xc9: {  	[bflag:$0x0] =	sbarrier.arrive $0xFFFF  }
0xca: {  	_ =	strace $0x90000047  }
0xcb: {  	s0 =	stileid.u32;
	[bflag:$0x2] =	sbarrier.arrive $0xFFFF  }
0xcc: {  	p0 =	sne.s32 s0, $0x0;
	s0 =	rddreg [dreg:$0x2]  }
0xcd: {  	s0 =	sadd.s32 @!p0 $0x100000, s0  }
0xce: {  	[sflag:s0] =	ssyncadd.tile.s32 @!p0 $0x1;
	_ =	shalt  }
.Lfunc_end2:
_tile_overlayer_lowered:
.L_overlay_start_2:
0xcf: {  	(tag) =	ssettag $0x2  }
0xd0: {  	s0 =	rddreg [dreg:$0x0];
	s2 =	stileid.u32  }
0xd1: {  	s1 =	rddreg [dreg:$0x1];
	p0 =	sne.s32 s2, $0x0  }
0xd2: {  	s3 =	rddreg [dreg:$0x2];
	[bflag:$0x3] =	sbarrier.arrive $0xFFFF;
	s2 =	simm.s32 @!p0 $0x1C05  }
0xd3: {  	[timem:s3], [sflag:s2] =	dma.local @!p0 [hbm:s0], s1  }
0xd4: {  	s0 =	simm.s32 @!p0 $0x5  }
0xd5: {  	_ =	swait.ge @!p0 [sflag:s0], s1  }
0xd6: {  	s1 =	ssub.s32 @!p0 $0x0, s1;
	[sflag:s0] =	ssyncset.done @!p0 $0x0  }
0xd7: {  	[sflag:s0] =	ssyncadd.s32 @!p0 s1  }
0xd8: {  	[bflag:$0x3] =	sbarrier.arrive $0xFFFF  }
0xd9: {  	_ =	shalt  }

</sc_bundles>
